<compile_context>
chip_gen: v7x
topology: tpu7x:2x2x1
jax: 0.10.2.dev20260603
libtpu: 0.0.44.dev20260713+nightly
codegen_flags: <defaults>
</compile_context>

<pallas_src>
import functools

import jax
import jax.numpy as jnp
from jax import lax
from jax.experimental import pallas as pl
from jax.experimental.pallas import tpu as pltpu
from jax.experimental.pallas import tpu_sc as plsc

_S = 4096
_D = 4096
_NC = 2
_NS = 16
_NW = _NC * _NS
_ROWS_PER_W = _S // _NW
_CH = 2
_NCHUNK = _ROWS_PER_W // _CH
_NSLOT = 4
_LANES = 16
_UNROLL = 8

_mesh = plsc.VectorSubcoreMesh(core_axis_name="c", subcore_axis_name="s")

_VBUF = pltpu.VMEM((_CH, _D), jnp.float32)


@functools.partial(
    pl.kernel,
    mesh=_mesh,
    out_type=jax.ShapeDtypeStruct((_S, _D), jnp.float32),
    scratch_types=(
        [_VBUF] * 12
        + [pltpu.SemaphoreType.DMA] * 8
    ),
)
def _sc_add(x_hbm, p_hbm, o_hbm, *bufs):
    wid = lax.axis_index("s") * _NC + lax.axis_index("c")
    base = wid * _ROWS_PER_W
    xv = bufs[0:4]
    pv = bufs[4:8]
    ov = bufs[8:12]
    ins = bufs[12:16]
    outs = bufs[16:20]

    def start_in(chunk, b):
        rb = base + chunk * _CH
        pltpu.async_copy(x_hbm.at[pl.ds(rb, _CH)], xv[b], ins[b])
        pltpu.async_copy(p_hbm.at[pl.ds(rb, _CH)], pv[b], ins[b])

    def wait_in(b):
        pltpu.make_async_copy(x_hbm.at[pl.ds(base, _CH)], xv[b], ins[b]).wait()
        pltpu.make_async_copy(p_hbm.at[pl.ds(base, _CH)], pv[b], ins[b]).wait()

    def start_out(chunk, b):
        rb = base + chunk * _CH
        pltpu.async_copy(ov[b], o_hbm.at[pl.ds(rb, _CH)], outs[b])

    def wait_out(b):
        pltpu.make_async_copy(
            ov[b], o_hbm.at[pl.ds(base, _CH)], outs[b]).wait()

    for b in range(_NSLOT):
        start_in(b, b)

    def group_body(g, carry):
        for b in range(_NSLOT):
            chunk = _NSLOT * g + b
            wait_in(b)

            @pl.when(chunk >= _NSLOT)
            def _():
                wait_out(b)

            for r in range(_CH):
                def vec_body(j, carry2):
                    c = j * (_LANES * _UNROLL)
                    for u in range(_UNROLL):
                        s = pl.ds(c + u * _LANES, _LANES)
                        ov[b][r, s] = xv[b][r, s] + pv[b][r, s]
                    return carry2

                lax.fori_loop(0, _D // (_LANES * _UNROLL), vec_body, 0)

            start_out(chunk, b)

            @pl.when(chunk + _NSLOT < _NCHUNK)
            def _():
                start_in(chunk + _NSLOT, b)
        return carry

    lax.fori_loop(0, _NCHUNK // _NSLOT, group_body, 0)
    for b in range(_NSLOT):
        wait_out(b)


def kernel(x, pos_table):
    return _sc_add(x, pos_table)

# --- scband reference (transcript-rebuilt; emitter-appended) ---
"""Pipeline reference for scband-positional-encoding-31851477467312 (READ-ONLY COPY).

The authoritative reference and input builder live on the scoring server;
editing this copy changes nothing except your own understanding.
"""

import jax, jax.numpy as jnp
import numpy as np

INPUT_SIZE = 4096
SEQ_LEN = 4096

def setup_inputs(seed: int = 0) -> dict:
    key = jax.random.key(seed)
    k1, k2 = jax.random.split(key)
    x = jax.random.normal(k1, (SEQ_LEN, INPUT_SIZE), dtype=jnp.float32)
    # nn.Embedding(input_size, input_size) weight, default init N(0,1)
    pos_table = jax.random.normal(k2, (INPUT_SIZE, INPUT_SIZE), dtype=jnp.float32)
    return {"x": x, "pos_table": pos_table}

def reference(x, pos_table):
    seq_length = x.shape[0]
    position_ids = jnp.arange(seq_length, dtype=jnp.int32)
    position_embeddings = jnp.take(pos_table, position_ids, axis=0)  # [S, D]
    return x + position_embeddings

if __name__ == "__main__":
    import jax
    _d = setup_inputs()
    print(jax.jit(kernel)(*tuple(_d.values())))

</pallas_src>

<mosaic_0001>
#map = affine_map<(d0, d1) -> (0, 0)>
module attributes {stable_mosaic.version = 14 : i64} {
  func.func @_sc_add(%arg0: i32, %arg1: i32, %arg2: memref<4096x4096xf32, #tpu.memory_space<hbm>>, %arg3: memref<4096x4096xf32, #tpu.memory_space<hbm>>, %arg4: memref<4096x4096xf32, #tpu.memory_space<hbm>>, %arg5: memref<2x4096xf32, #tpu.memory_space<vmem>>, %arg6: memref<2x4096xf32, #tpu.memory_space<vmem>>, %arg7: memref<2x4096xf32, #tpu.memory_space<vmem>>, %arg8: memref<2x4096xf32, #tpu.memory_space<vmem>>, %arg9: memref<2x4096xf32, #tpu.memory_space<vmem>>, %arg10: memref<2x4096xf32, #tpu.memory_space<vmem>>, %arg11: memref<2x4096xf32, #tpu.memory_space<vmem>>, %arg12: memref<2x4096xf32, #tpu.memory_space<vmem>>, %arg13: memref<2x4096xf32, #tpu.memory_space<vmem>>, %arg14: memref<2x4096xf32, #tpu.memory_space<vmem>>, %arg15: memref<2x4096xf32, #tpu.memory_space<vmem>>, %arg16: memref<2x4096xf32, #tpu.memory_space<vmem>>, %arg17: memref<!tpu.dma_semaphore, #tpu.memory_space<semaphore_mem>>, %arg18: memref<!tpu.dma_semaphore, #tpu.memory_space<semaphore_mem>>, %arg19: memref<!tpu.dma_semaphore, #tpu.memory_space<semaphore_mem>>, %arg20: memref<!tpu.dma_semaphore, #tpu.memory_space<semaphore_mem>>, %arg21: memref<!tpu.dma_semaphore, #tpu.memory_space<semaphore_mem>>, %arg22: memref<!tpu.dma_semaphore, #tpu.memory_space<semaphore_mem>>, %arg23: memref<!tpu.dma_semaphore, #tpu.memory_space<semaphore_mem>>, %arg24: memref<!tpu.dma_semaphore, #tpu.memory_space<semaphore_mem>>) attributes {dimension_semantics = [#tpu.dimension_semantics<core_parallel>, #tpu.dimension_semantics<subcore_parallel>], iteration_bounds = array<i64: 2, 16>, scalar_prefetch = 0 : i64, scratch_operands = 20 : i64, tpu.core_type = #tpu.core_type<sc_vector_subcore>, window_params = [{transform_indices = #map}, {transform_indices = #map}, {transform_indices = #map}]} {
    %mul3A = arith.constant 2 : i32
    %mul3A_0 = arith.muli %arg1, %mul3A : i32
    %add3A = arith.addi %mul3A_0, %arg0 : i32
    %mul3A_1 = arith.constant 128 : i32
    %mul3A_2 = arith.muli %add3A, %mul3A_1 : i32
    %add3A_3 = arith.constant 0 : i32
    %add3A_4 = arith.addi %mul3A_2, %add3A_3 : i32
    %dma_start3A = arith.constant 0 : i32
    %dma_start3A_5 = tpu.memref_slice %arg2[%add3A_4, %dma_start3A] : memref<4096x4096xf32, #tpu.memory_space<hbm>> -> memref<2x4096xf32, #tpu.memory_space<hbm>>
    %dma_start3A_6 = arith.constant 0 : i32
    %dma_start3A_7 = tpu.memref_slice %arg2[%add3A_4, %dma_start3A_6] : memref<4096x4096xf32, #tpu.memory_space<hbm>> -> memref<2x4096xf32, #tpu.memory_space<hbm>>
    tpu.enqueue_dma source(%dma_start3A_7 : memref<2x4096xf32, #tpu.memory_space<hbm>>) target(%arg5 : memref<2x4096xf32, #tpu.memory_space<vmem>>) target_semaphore(%arg17 : memref<!tpu.dma_semaphore, #tpu.memory_space<semaphore_mem>>)
    %dma_start3A_8 = arith.constant 0 : i32
    %dma_start3A_9 = tpu.memref_slice %arg3[%add3A_4, %dma_start3A_8] : memref<4096x4096xf32, #tpu.memory_space<hbm>> -> memref<2x4096xf32, #tpu.memory_space<hbm>>
    %dma_start3A_10 = arith.constant 0 : i32
    %dma_start3A_11 = tpu.memref_slice %arg3[%add3A_4, %dma_start3A_10] : memref<4096x4096xf32, #tpu.memory_space<hbm>> -> memref<2x4096xf32, #tpu.memory_space<hbm>>
    tpu.enqueue_dma source(%dma_start3A_11 : memref<2x4096xf32, #tpu.memory_space<hbm>>) target(%arg9 : memref<2x4096xf32, #tpu.memory_space<vmem>>) target_semaphore(%arg17 : memref<!tpu.dma_semaphore, #tpu.memory_space<semaphore_mem>>)
    %add3A_12 = arith.constant 2 : i32
    %add3A_13 = arith.addi %mul3A_2, %add3A_12 : i32
    %dma_start3A_14 = arith.constant 0 : i32
    %dma_start3A_15 = tpu.memref_slice %arg2[%add3A_13, %dma_start3A_14] : memref<4096x4096xf32, #tpu.memory_space<hbm>> -> memref<2x4096xf32, #tpu.memory_space<hbm>>
    %dma_start3A_16 = arith.constant 0 : i32
    %dma_start3A_17 = tpu.memref_slice %arg2[%add3A_13, %dma_start3A_16] : memref<4096x4096xf32, #tpu.memory_space<hbm>> -> memref<2x4096xf32, #tpu.memory_space<hbm>>
    tpu.enqueue_dma source(%dma_start3A_17 : memref<2x4096xf32, #tpu.memory_space<hbm>>) target(%arg6 : memref<2x4096xf32, #tpu.memory_space<vmem>>) target_semaphore(%arg18 : memref<!tpu.dma_semaphore, #tpu.memory_space<semaphore_mem>>)
    %dma_start3A_18 = arith.constant 0 : i32
    %dma_start3A_19 = tpu.memref_slice %arg3[%add3A_13, %dma_start3A_18] : memref<4096x4096xf32, #tpu.memory_space<hbm>> -> memref<2x4096xf32, #tpu.memory_space<hbm>>
    %dma_start3A_20 = arith.constant 0 : i32
    %dma_start3A_21 = tpu.memref_slice %arg3[%add3A_13, %dma_start3A_20] : memref<4096x4096xf32, #tpu.memory_space<hbm>> -> memref<2x4096xf32, #tpu.memory_space<hbm>>
    tpu.enqueue_dma source(%dma_start3A_21 : memref<2x4096xf32, #tpu.memory_space<hbm>>) target(%arg10 : memref<2x4096xf32, #tpu.memory_space<vmem>>) target_semaphore(%arg18 : memref<!tpu.dma_semaphore, #tpu.memory_space<semaphore_mem>>)
    %add3A_22 = arith.constant 4 : i32
    %add3A_23 = arith.addi %mul3A_2, %add3A_22 : i32
    %dma_start3A_24 = arith.constant 0 : i32
    %dma_start3A_25 = tpu.memref_slice %arg2[%add3A_23, %dma_start3A_24] : memref<4096x4096xf32, #tpu.memory_space<hbm>> -> memref<2x4096xf32, #tpu.memory_space<hbm>>
    %dma_start3A_26 = arith.constant 0 : i32
    %dma_start3A_27 = tpu.memref_slice %arg2[%add3A_23, %dma_start3A_26] : memref<4096x4096xf32, #tpu.memory_space<hbm>> -> memref<2x4096xf32, #tpu.memory_space<hbm>>
    tpu.enqueue_dma source(%dma_start3A_27 : memref<2x4096xf32, #tpu.memory_space<hbm>>) target(%arg7 : memref<2x4096xf32, #tpu.memory_space<vmem>>) target_semaphore(%arg19 : memref<!tpu.dma_semaphore, #tpu.memory_space<semaphore_mem>>)
    %dma_start3A_28 = arith.constant 0 : i32
    %dma_start3A_29 = tpu.memref_slice %arg3[%add3A_23, %dma_start3A_28] : memref<4096x4096xf32, #tpu.memory_space<hbm>> -> memref<2x4096xf32, #tpu.memory_space<hbm>>
    %dma_start3A_30 = arith.constant 0 : i32
    %dma_start3A_31 = tpu.memref_slice %arg3[%add3A_23, %dma_start3A_30] : memref<4096x4096xf32, #tpu.memory_space<hbm>> -> memref<2x4096xf32, #tpu.memory_space<hbm>>
    tpu.enqueue_dma source(%dma_start3A_31 : memref<2x4096xf32, #tpu.memory_space<hbm>>) target(%arg11 : memref<2x4096xf32, #tpu.memory_space<vmem>>) target_semaphore(%arg19 : memref<!tpu.dma_semaphore, #tpu.memory_space<semaphore_mem>>)
    %add3A_32 = arith.constant 6 : i32
    %add3A_33 = arith.addi %mul3A_2, %add3A_32 : i32
    %dma_start3A_34 = arith.constant 0 : i32
    %dma_start3A_35 = tpu.memref_slice %arg2[%add3A_33, %dma_start3A_34] : memref<4096x4096xf32, #tpu.memory_space<hbm>> -> memref<2x4096xf32, #tpu.memory_space<hbm>>
    %dma_start3A_36 = arith.constant 0 : i32
    %dma_start3A_37 = tpu.memref_slice %arg2[%add3A_33, %dma_start3A_36] : memref<4096x4096xf32, #tpu.memory_space<hbm>> -> memref<2x4096xf32, #tpu.memory_space<hbm>>
    tpu.enqueue_dma source(%dma_start3A_37 : memref<2x4096xf32, #tpu.memory_space<hbm>>) target(%arg8 : memref<2x4096xf32, #tpu.memory_space<vmem>>) target_semaphore(%arg20 : memref<!tpu.dma_semaphore, #tpu.memory_space<semaphore_mem>>)
    %dma_start3A_38 = arith.constant 0 : i32
    %dma_start3A_39 = tpu.memref_slice %arg3[%add3A_33, %dma_start3A_38] : memref<4096x4096xf32, #tpu.memory_space<hbm>> -> memref<2x4096xf32, #tpu.memory_space<hbm>>
    %dma_start3A_40 = arith.constant 0 : i32
    %dma_start3A_41 = tpu.memref_slice %arg3[%add3A_33, %dma_start3A_40] : memref<4096x4096xf32, #tpu.memory_space<hbm>> -> memref<2x4096xf32, #tpu.memory_space<hbm>>
    tpu.enqueue_dma source(%dma_start3A_41 : memref<2x4096xf32, #tpu.memory_space<hbm>>) target(%arg12 : memref<2x4096xf32, #tpu.memory_space<vmem>>) target_semaphore(%arg20 : memref<!tpu.dma_semaphore, #tpu.memory_space<semaphore_mem>>)
    %scan3A = arith.constant 0 : i32
    %scan3A_42 = arith.constant 0 : i32
    %scan3A_43 = arith.constant 16 : i32
    %scan3A_44 = arith.addi %scan3A_42, %scan3A_43 : i32
    %scan3A_45 = arith.constant 1 : i32
    scf.for %scan3A_62 = %scan3A_42 to %scan3A_44 step %scan3A_45  : i32 {
      %mul3A_63 = arith.constant 4 : i32
      %mul3A_64 = arith.muli %mul3A_63, %scan3A_62 : i32
      %add3A_65 = arith.constant 0 : i32
      %add3A_66 = arith.addi %mul3A_64, %add3A_65 : i32
      %dma_wait3A_67 = arith.constant 0 : i32
      %dma_wait3A_68 = tpu.memref_slice %arg2[%mul3A_2, %dma_wait3A_67] : memref<4096x4096xf32, #tpu.memory_space<hbm>> -> memref<2x4096xf32, #tpu.memory_space<hbm>>
      %dma_wait3A_69 = arith.constant 0 : i32
      %dma_wait3A_70 = tpu.memref_slice %arg2[%mul3A_2, %dma_wait3A_69] : memref<4096x4096xf32, #tpu.memory_space<hbm>> -> memref<2x4096xf32, #tpu.memory_space<hbm>>
      tpu.wait_dma2 semaphore(%arg17 : memref<!tpu.dma_semaphore, #tpu.memory_space<semaphore_mem>>) src(%dma_wait3A_70 : memref<2x4096xf32, #tpu.memory_space<hbm>>) dst(%arg5 : memref<2x4096xf32, #tpu.memory_space<vmem>>)
      %dma_wait3A_71 = arith.constant 0 : i32
      %dma_wait3A_72 = tpu.memref_slice %arg3[%mul3A_2, %dma_wait3A_71] : memref<4096x4096xf32, #tpu.memory_space<hbm>> -> memref<2x4096xf32, #tpu.memory_space<hbm>>
      %dma_wait3A_73 = arith.constant 0 : i32
      %dma_wait3A_74 = tpu.memref_slice %arg3[%mul3A_2, %dma_wait3A_73] : memref<4096x4096xf32, #tpu.memory_space<hbm>> -> memref<2x4096xf32, #tpu.memory_space<hbm>>
      tpu.wait_dma2 semaphore(%arg17 : memref<!tpu.dma_semaphore, #tpu.memory_space<semaphore_mem>>) src(%dma_wait3A_74 : memref<2x4096xf32, #tpu.memory_space<hbm>>) dst(%arg9 : memref<2x4096xf32, #tpu.memory_space<vmem>>)
      %ge3A = arith.constant 4 : i32
      %ge3A_75 = arith.cmpi sge, %add3A_66, %ge3A : i32
      %convert_element_type3A = arith.extui %ge3A_75 : i1 to i32
      %cond3A = arith.constant 0 : i32
      %cond3A_76 = arith.cmpi ne, %convert_element_type3A, %cond3A : i32
      scf.if %cond3A_76 {
        %dma_wait3A_231 = arith.constant 0 : i32
        %dma_wait3A_232 = tpu.memref_slice %arg4[%mul3A_2, %dma_wait3A_231] : memref<4096x4096xf32, #tpu.memory_space<hbm>> -> memref<2x4096xf32, #tpu.memory_space<hbm>>
        %dma_wait3A_233 = arith.constant 0 : i32
        %dma_wait3A_234 = tpu.memref_slice %arg4[%mul3A_2, %dma_wait3A_233] : memref<4096x4096xf32, #tpu.memory_space<hbm>> -> memref<2x4096xf32, #tpu.memory_space<hbm>>
        tpu.wait_dma2 semaphore(%arg21 : memref<!tpu.dma_semaphore, #tpu.memory_space<semaphore_mem>>) src(%arg13 : memref<2x4096xf32, #tpu.memory_space<vmem>>) dst(%dma_wait3A_234 : memref<2x4096xf32, #tpu.memory_space<hbm>>)
      } else {
      }
      %scan3A_77 = arith.constant 0 : i32
      %scan3A_78 = arith.constant 0 : i32
      %scan3A_79 = arith.constant 32 : i32
      %scan3A_80 = arith.addi %scan3A_78, %scan3A_79 : i32
      %scan3A_81 = arith.constant 1 : i32
      scf.for %scan3A_231 = %scan3A_78 to %scan3A_80 step %scan3A_81  : i32 {
        %mul3A_232 = arith.constant 128 : i32
        %mul3A_233 = arith.muli %scan3A_231, %mul3A_232 : i32
        %add3A_234 = arith.constant 0 : i32
        %add3A_235 = arith.addi %mul3A_233, %add3A_234 : i32
        %get3A = arith.constant 0 : i32
        %get3A_236 = arith.index_cast %get3A : i32 to index
        %get3A_237 = arith.index_cast %add3A_235 : i32 to index
        %get3A_238 = tpu.vector_load %arg5[%get3A_236, %get3A_237] {strides = array<i32>} : memref<2x4096xf32, #tpu.memory_space<vmem>>, vector<1x16xf32>,
        %get3A_239 = vector.shape_cast %get3A_238 : vector<1x16xf32> to vector<16xf32>
        %get3A_240 = arith.constant 0 : i32
        %get3A_241 = arith.index_cast %get3A_240 : i32 to index
        %get3A_242 = arith.index_cast %add3A_235 : i32 to index
        %get3A_243 = tpu.vector_load %arg9[%get3A_241, %get3A_242] {strides = array<i32>} : memref<2x4096xf32, #tpu.memory_space<vmem>>, vector<1x16xf32>,
        %get3A_244 = vector.shape_cast %get3A_243 : vector<1x16xf32> to vector<16xf32>
        %add3A_245 = arith.addf %get3A_239, %get3A_244 : vector<16xf32>
        %swap3A = arith.constant 0 : i32
        %swap3A_246 = arith.index_cast %swap3A : i32 to index
        %swap3A_247 = arith.index_cast %add3A_235 : i32 to index
        %swap3A_248 = tpu.vector_load %arg13[%swap3A_246, %swap3A_247] {strides = array<i32>} : memref<2x4096xf32, #tpu.memory_space<vmem>>, vector<1x16xf32>,
        %swap3A_249 = vector.shape_cast %swap3A_248 : vector<1x16xf32> to vector<16xf32>
        %swap3A_250 = vector.shape_cast %add3A_245 : vector<16xf32> to vector<1x16xf32>
        tpu.vector_store %arg13[%swap3A_246, %swap3A_247], %swap3A_250 {strides = array<i32>} : memref<2x4096xf32, #tpu.memory_space<vmem>>, vector<1x16xf32>,
        %add3A_251 = arith.constant 16 : i32
        %add3A_252 = arith.addi %mul3A_233, %add3A_251 : i32
        %get3A_253 = arith.constant 0 : i32
        %get3A_254 = arith.index_cast %get3A_253 : i32 to index
        %get3A_255 = arith.index_cast %add3A_252 : i32 to index
        %get3A_256 = tpu.vector_load %arg5[%get3A_254, %get3A_255] {strides = array<i32>} : memref<2x4096xf32, #tpu.memory_space<vmem>>, vector<1x16xf32>,
        %get3A_257 = vector.shape_cast %get3A_256 : vector<1x16xf32> to vector<16xf32>
        %get3A_258 = arith.constant 0 : i32
        %get3A_259 = arith.index_cast %get3A_258 : i32 to index
        %get3A_260 = arith.index_cast %add3A_252 : i32 to index
        %get3A_261 = tpu.vector_load %arg9[%get3A_259, %get3A_260] {strides = array<i32>} : memref<2x4096xf32, #tpu.memory_space<vmem>>, vector<1x16xf32>,
        %get3A_262 = vector.shape_cast %get3A_261 : vector<1x16xf32> to vector<16xf32>
        %add3A_263 = arith.addf %get3A_257, %get3A_262 : vector<16xf32>
        %swap3A_264 = arith.constant 0 : i32
        %swap3A_265 = arith.index_cast %swap3A_264 : i32 to index
        %swap3A_266 = arith.index_cast %add3A_252 : i32 to index
        %swap3A_267 = tpu.vector_load %arg13[%swap3A_265, %swap3A_266] {strides = array<i32>} : memref<2x4096xf32, #tpu.memory_space<vmem>>, vector<1x16xf32>,
        %swap3A_268 = vector.shape_cast %swap3A_267 : vector<1x16xf32> to vector<16xf32>
        %swap3A_269 = vector.shape_cast %add3A_263 : vector<16xf32> to vector<1x16xf32>
        tpu.vector_store %arg13[%swap3A_265, %swap3A_266], %swap3A_269 {strides = array<i32>} : memref<2x4096xf32, #tpu.memory_space<vmem>>, vector<1x16xf32>,
        %add3A_270 = arith.constant 32 : i32
        %add3A_271 = arith.addi %mul3A_233, %add3A_270 : i32
        %get3A_272 = arith.constant 0 : i32
        %get3A_273 = arith.index_cast %get3A_272 : i32 to index
        %get3A_274 = arith.index_cast %add3A_271 : i32 to index
        %get3A_275 = tpu.vector_load %arg5[%get3A_273, %get3A_274] {strides = array<i32>} : memref<2x4096xf32, #tpu.memory_space<vmem>>, vector<1x16xf32>,
        %get3A_276 = vector.shape_cast %get3A_275 : vector<1x16xf32> to vector<16xf32>
        %get3A_277 = arith.constant 0 : i32
        %get3A_278 = arith.index_cast %get3A_277 : i32 to index
        %get3A_279 = arith.index_cast %add3A_271 : i32 to index
        %get3A_280 = tpu.vector_load %arg9[%get3A_278, %get3A_279] {strides = array<i32>} : memref<2x4096xf32, #tpu.memory_space<vmem>>, vector<1x16xf32>,
        %get3A_281 = vector.shape_cast %get3A_280 : vector<1x16xf32> to vector<16xf32>
        %add3A_282 = arith.addf %get3A_276, %get3A_281 : vector<16xf32>
        %swap3A_283 = arith.constant 0 : i32
        %swap3A_284 = arith.index_cast %swap3A_283 : i32 to index
        %swap3A_285 = arith.index_cast %add3A_271 : i32 to index
        %swap3A_286 = tpu.vector_load %arg13[%swap3A_284, %swap3A_285] {strides = array<i32>} : memref<2x4096xf32, #tpu.memory_space<vmem>>, vector<1x16xf32>,
        %swap3A_287 = vector.shape_cast %swap3A_286 : vector<1x16xf32> to vector<16xf32>
        %swap3A_288 = vector.shape_cast %add3A_282 : vector<16xf32> to vector<1x16xf32>
        tpu.vector_store %arg13[%swap3A_284, %swap3A_285], %swap3A_288 {strides = array<i32>} : memref<2x4096xf32, #tpu.memory_space<vmem>>, vector<1x16xf32>,
        %add3A_289 = arith.constant 48 : i32
        %add3A_290 = arith.addi %mul3A_233, %add3A_289 : i32
        %get3A_291 = arith.constant 0 : i32
        %get3A_292 = arith.index_cast %get3A_291 : i32 to index
        %get3A_293 = arith.index_cast %add3A_290 : i32 to index
        %get3A_294 = tpu.vector_load %arg5[%get3A_292, %get3A_293] {strides = array<i32>} : memref<2x4096xf32, #tpu.memory_space<vmem>>, vector<1x16xf32>,
        %get3A_295 = vector.shape_cast %get3A_294 : vector<1x16xf32> to vector<16xf32>
        %get3A_296 = arith.constant 0 : i32
        %get3A_297 = arith.index_cast %get3A_296 : i32 to index
        %get3A_298 = arith.index_cast %add3A_290 : i32 to index
        %get3A_299 = tpu.vector_load %arg9[%get3A_297, %get3A_298] {strides = array<i32>} : memref<2x4096xf32, #tpu.memory_space<vmem>>, vector<1x16xf32>,
        %get3A_300 = vector.shape_cast %get3A_299 : vector<1x16xf32> to vector<16xf32>
        %add3A_301 = arith.addf %get3A_295, %get3A_300 : vector<16xf32>
        %swap3A_302 = arith.constant 0 : i32
        %swap3A_303 = arith.index_cast %swap3A_302 : i32 to index
        %swap3A_304 = arith.index_cast %add3A_290 : i32 to index
        %swap3A_305 = tpu.vector_load %arg13[%swap3A_303, %swap3A_304] {strides = array<i32>} : memref<2x4096xf32, #tpu.memory_space<vmem>>, vector<1x16xf32>,
        %swap3A_306 = vector.shape_cast %swap3A_305 : vector<1x16xf32> to vector<16xf32>
        %swap3A_307 = vector.shape_cast %add3A_301 : vector<16xf32> to vector<1x16xf32>
        tpu.vector_store %arg13[%swap3A_303, %swap3A_304], %swap3A_307 {strides = array<i32>} : memref<2x4096xf32, #tpu.memory_space<vmem>>, vector<1x16xf32>,
        %add3A_308 = arith.constant 64 : i32
        %add3A_309 = arith.addi %mul3A_233, %add3A_308 : i32
        %get3A_310 = arith.constant 0 : i32
        %get3A_311 = arith.index_cast %get3A_310 : i32 to index
        %get3A_312 = arith.index_cast %add3A_309 : i32 to index
        %get3A_313 = tpu.vector_load %arg5[%get3A_311, %get3A_312] {strides = array<i32>} : memref<2x4096xf32, #tpu.memory_space<vmem>>, vector<1x16xf32>,
        %get3A_314 = vector.shape_cast %get3A_313 : vector<1x16xf32> to vector<16xf32>
        %get3A_315 = arith.constant 0 : i32
        %get3A_316 = arith.index_cast %get3A_315 : i32 to index
        %get3A_317 = arith.index_cast %add3A_309 : i32 to index
        %get3A_318 = tpu.vector_load %arg9[%get3A_316, %get3A_317] {strides = array<i32>} : memref<2x4096xf32, #tpu.memory_space<vmem>>, vector<1x16xf32>,
        %get3A_319 = vector.shape_cast %get3A_318 : vector<1x16xf32> to vector<16xf32>
        %add3A_320 = arith.addf %get3A_314, %get3A_319 : vector<16xf32>
        %swap3A_321 = arith.constant 0 : i32
        %swap3A_322 = arith.index_cast %swap3A_321 : i32 to index
        %swap3A_323 = arith.index_cast %add3A_309 : i32 to index
        %swap3A_324 = tpu.vector_load %arg13[%swap3A_322, %swap3A_323] {strides = array<i32>} : memref<2x4096xf32, #tpu.memory_space<vmem>>, vector<1x16xf32>,
        %swap3A_325 = vector.shape_cast %swap3A_324 : vector<1x16xf32> to vector<16xf32>
        %swap3A_326 = vector.shape_cast %add3A_320 : vector<16xf32> to vector<1x16xf32>
        tpu.vector_store %arg13[%swap3A_322, %swap3A_323], %swap3A_326 {strides = array<i32>} : memref<2x4096xf32, #tpu.memory_space<vmem>>, vector<1x16xf32>,
        %add3A_327 = arith.constant 80 : i32
        %add3A_328 = arith.addi %mul3A_233, %add3A_327 : i32
        %get3A_329 = arith.constant 0 : i32
        %get3A_330 = arith.index_cast %get3A_329 : i32 to index
        %get3A_331 = arith.index_cast %add3A_328 : i32 to index
        %get3A_332 = tpu.vector_load %arg5[%get3A_330, %get3A_331] {strides = array<i32>} : memref<2x4096xf32, #tpu.memory_space<vmem>>, vector<1x16xf32>,
        %get3A_333 = vector.shape_cast %get3A_332 : vector<1x16xf32> to vector<16xf32>
        %get3A_334 = arith.constant 0 : i32
        %get3A_335 = arith.index_cast %get3A_334 : i32 to index
        %get3A_336 = arith.index_cast %add3A_328 : i32 to index
        %get3A_337 = tpu.vector_load %arg9[%get3A_335, %get3A_336] {strides = array<i32>} : memref<2x4096xf32, #tpu.memory_space<vmem>>, vector<1x16xf32>,
        %get3A_338 = vector.shape_cast %get3A_337 : vector<1x16xf32> to vector<16xf32>
        %add3A_339 = arith.addf %get3A_333, %get3A_338 : vector<16xf32>
        %swap3A_340 = arith.constant 0 : i32
        %swap3A_341 = arith.index_cast %swap3A_340 : i32 to index
        %swap3A_342 = arith.index_cast %add3A_328 : i32 to index
        %swap3A_343 = tpu.vector_load %arg13[%swap3A_341, %swap3A_342] {strides = array<i32>} : memref<2x4096xf32, #tpu.memory_space<vmem>>, vector<1x16xf32>,
        %swap3A_344 = vector.shape_cast %swap3A_343 : vector<1x16xf32> to vector<16xf32>
        %swap3A_345 = vector.shape_cast %add3A_339 : vector<16xf32> to vector<1x16xf32>
        tpu.vector_store %arg13[%swap3A_341, %swap3A_342], %swap3A_345 {strides = array<i32>} : memref<2x4096xf32, #tpu.memory_space<vmem>>, vector<1x16xf32>,
        %add3A_346 = arith.constant 96 : i32
        %add3A_347 = arith.addi %mul3A_233, %add3A_346 : i32
        %get3A_348 = arith.constant 0 : i32
        %get3A_349 = arith.index_cast %get3A_348 : i32 to index
        %get3A_350 = arith.index_cast %add3A_347 : i32 to index
        %get3A_351 = tpu.vector_load %arg5[%get3A_349, %get3A_350] {strides = array<i32>} : memref<2x4096xf32, #tpu.memory_space<vmem>>, vector<1x16xf32>,
        %get3A_352 = vector.shape_cast %get3A_351 : vector<1x16xf32> to vector<16xf32>
        %get3A_353 = arith.constant 0 : i32
        %get3A_354 = arith.index_cast %get3A_353 : i32 to index
        %get3A_355 = arith.index_cast %add3A_347 : i32 to index
        %get3A_356 = tpu.vector_load %arg9[%get3A_354, %get3A_355] {strides = array<i32>} : memref<2x4096xf32, #tpu.memory_space<vmem>>, vector<1x16xf32>,
        %get3A_357 = vector.shape_cast %get3A_356 : vector<1x16xf32> to vector<16xf32>
        %add3A_358 = arith.addf %get3A_352, %get3A_357 : vector<16xf32>
        %swap3A_359 = arith.constant 0 : i32
        %swap3A_360 = arith.index_cast %swap3A_359 : i32 to index
        %swap3A_361 = arith.index_cast %add3A_347 : i32 to index
        %swap3A_362 = tpu.vector_load %arg13[%swap3A_360, %swap3A_361] {strides = array<i32>} : memref<2x4096xf32, #tpu.memory_space<vmem>>, vector<1x16xf32>,
        %swap3A_363 = vector.shape_cast %swap3A_362 : vector<1x16xf32> to vector<16xf32>
        %swap3A_364 = vector.shape_cast %add3A_358 : vector<16xf32> to vector<1x16xf32>
        tpu.vector_store %arg13[%swap3A_360, %swap3A_361], %swap3A_364 {strides = array<i32>} : memref<2x4096xf32, #tpu.memory_space<vmem>>, vector<1x16xf32>,
        %add3A_365 = arith.constant 112 : i32
        %add3A_366 = arith.addi %mul3A_233, %add3A_365 : i32
        %get3A_367 = arith.constant 0 : i32
        %get3A_368 = arith.index_cast %get3A_367 : i32 to index
        %get3A_369 = arith.index_cast %add3A_366 : i32 to index
        %get3A_370 = tpu.vector_load %arg5[%get3A_368, %get3A_369] {strides = array<i32>} : memref<2x4096xf32, #tpu.memory_space<vmem>>, vector<1x16xf32>,
        %get3A_371 = vector.shape_cast %get3A_370 : vector<1x16xf32> to vector<16xf32>
        %get3A_372 = arith.constant 0 : i32
        %get3A_373 = arith.index_cast %get3A_372 : i32 to index
        %get3A_374 = arith.index_cast %add3A_366 : i32 to index
        %get3A_375 = tpu.vector_load %arg9[%get3A_373, %get3A_374] {strides = array<i32>} : memref<2x4096xf32, #tpu.memory_space<vmem>>, vector<1x16xf32>,
        %get3A_376 = vector.shape_cast %get3A_375 : vector<1x16xf32> to vector<16xf32>
        %add3A_377 = arith.addf %get3A_371, %get3A_376 : vector<16xf32>
        %swap3A_378 = arith.constant 0 : i32
        %swap3A_379 = arith.index_cast %swap3A_378 : i32 to index
        %swap3A_380 = arith.index_cast %add3A_366 : i32 to index
        %swap3A_381 = tpu.vector_load %arg13[%swap3A_379, %swap3A_380] {strides = array<i32>} : memref<2x4096xf32, #tpu.memory_space<vmem>>, vector<1x16xf32>,
        %swap3A_382 = vector.shape_cast %swap3A_381 : vector<1x16xf32> to vector<16xf32>
        %swap3A_383 = vector.shape_cast %add3A_377 : vector<16xf32> to vector<1x16xf32>
        tpu.vector_store %arg13[%swap3A_379, %swap3A_380], %swap3A_383 {strides = array<i32>} : memref<2x4096xf32, #tpu.memory_space<vmem>>, vector<1x16xf32>,
      }
      %scan3A_82 = arith.constant 32 : i32
      %scan3A_83 = arith.constant 0 : i32
      %scan3A_84 = arith.constant 0 : i32
      %scan3A_85 = arith.constant 32 : i32
      %scan3A_86 = arith.addi %scan3A_84, %scan3A_85 : i32
      %scan3A_87 = arith.constant 1 : i32
      scf.for %scan3A_231 = %scan3A_84 to %scan3A_86 step %scan3A_87  : i32 {
        %mul3A_232 = arith.constant 128 : i32
        %mul3A_233 = arith.muli %scan3A_231, %mul3A_232 : i32
        %add3A_234 = arith.constant 0 : i32
        %add3A_235 = arith.addi %mul3A_233, %add3A_234 : i32
        %get3A = arith.constant 1 : i32
        %get3A_236 = arith.index_cast %get3A : i32 to index
        %get3A_237 = arith.index_cast %add3A_235 : i32 to index
        %get3A_238 = tpu.vector_load %arg5[%get3A_236, %get3A_237] {strides = array<i32>} : memref<2x4096xf32, #tpu.memory_space<vmem>>, vector<1x16xf32>,
        %get3A_239 = vector.shape_cast %get3A_238 : vector<1x16xf32> to vector<16xf32>
        %get3A_240 = arith.constant 1 : i32
        %get3A_241 = arith.index_cast %get3A_240 : i32 to index
        %get3A_242 = arith.index_cast %add3A_235 : i32 to index
        %get3A_243 = tpu.vector_load %arg9[%get3A_241, %get3A_242] {strides = array<i32>} : memref<2x4096xf32, #tpu.memory_space<vmem>>, vector<1x16xf32>,
        %get3A_244 = vector.shape_cast %get3A_243 : vector<1x16xf32> to vector<16xf32>
        %add3A_245 = arith.addf %get3A_239, %get3A_244 : vector<16xf32>
        %swap3A = arith.constant 1 : i32
        %swap3A_246 = arith.index_cast %swap3A : i32 to index
        %swap3A_247 = arith.index_cast %add3A_235 : i32 to index
        %swap3A_248 = tpu.vector_load %arg13[%swap3A_246, %swap3A_247] {strides = array<i32>} : memref<2x4096xf32, #tpu.memory_space<vmem>>, vector<1x16xf32>,
        %swap3A_249 = vector.shape_cast %swap3A_248 : vector<1x16xf32> to vector<16xf32>
        %swap3A_250 = vector.shape_cast %add3A_245 : vector<16xf32> to vector<1x16xf32>
        tpu.vector_store %arg13[%swap3A_246, %swap3A_247], %swap3A_250 {strides = array<i32>} : memref<2x4096xf32, #tpu.memory_space<vmem>>, vector<1x16xf32>,
        %add3A_251 = arith.constant 16 : i32
        %add3A_252 = arith.addi %mul3A_233, %add3A_251 : i32
        %get3A_253 = arith.constant 1 : i32
        %get3A_254 = arith.index_cast %get3A_253 : i32 to index
        %get3A_255 = arith.index_cast %add3A_252 : i32 to index
        %get3A_256 = tpu.vector_load %arg5[%get3A_254, %get3A_255] {strides = array<i32>} : memref<2x4096xf32, #tpu.memory_space<vmem>>, vector<1x16xf32>,
        %get3A_257 = vector.shape_cast %get3A_256 : vector<1x16xf32> to vector<16xf32>
        %get3A_258 = arith.constant 1 : i32
        %get3A_259 = arith.index_cast %get3A_258 : i32 to index
        %get3A_260 = arith.index_cast %add3A_252 : i32 to index
        %get3A_261 = tpu.vector_load %arg9[%get3A_259, %get3A_260] {strides = array<i32>} : memref<2x4096xf32, #tpu.memory_space<vmem>>, vector<1x16xf32>,
        %get3A_262 = vector.shape_cast %get3A_261 : vector<1x16xf32> to vector<16xf32>
        %add3A_263 = arith.addf %get3A_257, %get3A_262 : vector<16xf32>
        %swap3A_264 = arith.constant 1 : i32
        %swap3A_265 = arith.index_cast %swap3A_264 : i32 to index
        %swap3A_266 = arith.index_cast %add3A_252 : i32 to index
        %swap3A_267 = tpu.vector_load %arg13[%swap3A_265, %swap3A_266] {strides = array<i32>} : memref<2x4096xf32, #tpu.memory_space<vmem>>, vector<1x16xf32>,
        %swap3A_268 = vector.shape_cast %swap3A_267 : vector<1x16xf32> to vector<16xf32>
        %swap3A_269 = vector.shape_cast %add3A_263 : vector<16xf32> to vector<1x16xf32>
        tpu.vector_store %arg13[%swap3A_265, %swap3A_266], %swap3A_269 {strides = array<i32>} : memref<2x4096xf32, #tpu.memory_space<vmem>>, vector<1x16xf32>,
        %add3A_270 = arith.constant 32 : i32
        %add3A_271 = arith.addi %mul3A_233, %add3A_270 : i32
        %get3A_272 = arith.constant 1 : i32
        %get3A_273 = arith.index_cast %get3A_272 : i32 to index
        %get3A_274 = arith.index_cast %add3A_271 : i32 to index
        %get3A_275 = tpu.vector_load %arg5[%get3A_273, %get3A_274] {strides = array<i32>} : memref<2x4096xf32, #tpu.memory_space<vmem>>, vector<1x16xf32>,
        %get3A_276 = vector.shape_cast %get3A_275 : vector<1x16xf32> to vector<16xf32>
        %get3A_277 = arith.constant 1 : i32
        %get3A_278 = arith.index_cast %get3A_277 : i32 to index
        %get3A_279 = arith.index_cast %add3A_271 : i32 to index
        %get3A_280 = tpu.vector_load %arg9[%get3A_278, %get3A_279] {strides = array<i32>} : memref<2x4096xf32, #tpu.memory_space<vmem>>, vector<1x16xf32>,
        %get3A_281 = vector.shape_cast %get3A_280 : vector<1x16xf32> to vector<16xf32>
        %add3A_282 = arith.addf %get3A_276, %get3A_281 : vector<16xf32>
        %swap3A_283 = arith.constant 1 : i32
        %swap3A_284 = arith.index_cast %swap3A_283 : i32 to index
        %swap3A_285 = arith.index_cast %add3A_271 : i32 to index
        %swap3A_286 = tpu.vector_load %arg13[%swap3A_284, %swap3A_285] {strides = array<i32>} : memref<2x4096xf32, #tpu.memory_space<vmem>>, vector<1x16xf32>,
        %swap3A_287 = vector.shape_cast %swap3A_286 : vector<1x16xf32> to vector<16xf32>
        %swap3A_288 = vector.shape_cast %add3A_282 : vector<16xf32> to vector<1x16xf32>
        tpu.vector_store %arg13[%swap3A_284, %swap3A_285], %swap3A_288 {strides = array<i32>} : memref<2x4096xf32, #tpu.memory_space<vmem>>, vector<1x16xf32>,
        %add3A_289 = arith.constant 48 : i32
        %add3A_290 = arith.addi %mul3A_233, %add3A_289 : i32
        %get3A_291 = arith.constant 1 : i32
        %get3A_292 = arith.index_cast %get3A_291 : i32 to index
        %get3A_293 = arith.index_cast %add3A_290 : i32 to index
        %get3A_294 = tpu.vector_load %arg5[%get3A_292, %get3A_293] {strides = array<i32>} : memref<2x4096xf32, #tpu.memory_space<vmem>>, vector<1x16xf32>,
        %get3A_295 = vector.shape_cast %get3A_294 : vector<1x16xf32> to vector<16xf32>
        %get3A_296 = arith.constant 1 : i32
        %get3A_297 = arith.index_cast %get3A_296 : i32 to index
        %get3A_298 = arith.index_cast %add3A_290 : i32 to index
        %get3A_299 = tpu.vector_load %arg9[%get3A_297, %get3A_298] {strides = array<i32>} : memref<2x4096xf32, #tpu.memory_space<vmem>>, vector<1x16xf32>,
        %get3A_300 = vector.shape_cast %get3A_299 : vector<1x16xf32> to vector<16xf32>
        %add3A_301 = arith.addf %get3A_295, %get3A_300 : vector<16xf32>
        %swap3A_302 = arith.constant 1 : i32
        %swap3A_303 = arith.index_cast %swap3A_302 : i32 to index
        %swap3A_304 = arith.index_cast %add3A_290 : i32 to index
        %swap3A_305 = tpu.vector_load %arg13[%swap3A_303, %swap3A_304] {strides = array<i32>} : memref<2x4096xf32, #tpu.memory_space<vmem>>, vector<1x16xf32>,
        %swap3A_306 = vector.shape_cast %swap3A_305 : vector<1x16xf32> to vector<16xf32>
        %swap3A_307 = vector.shape_cast %add3A_301 : vector<16xf32> to vector<1x16xf32>
        tpu.vector_store %arg13[%swap3A_303, %swap3A_304], %swap3A_307 {strides = array<i32>} : memref<2x4096xf32, #tpu.memory_space<vmem>>, vector<1x16xf32>,
        %add3A_308 = arith.constant 64 : i32
        %add3A_309 = arith.addi %mul3A_233, %add3A_308 : i32
        %get3A_310 = arith.constant 1 : i32
        %get3A_311 = arith.index_cast %get3A_310 : i32 to index
        %get3A_312 = arith.index_cast %add3A_309 : i32 to index
        %get3A_313 = tpu.vector_load %arg5[%get3A_311, %get3A_312] {strides = array<i32>} : memref<2x4096xf32, #tpu.memory_space<vmem>>, vector<1x16xf32>,
        %get3A_314 = vector.shape_cast %get3A_313 : vector<1x16xf32> to vector<16xf32>
        %get3A_315 = arith.constant 1 : i32
        %get3A_316 = arith.index_cast %get3A_315 : i32 to index
        %get3A_317 = arith.index_cast %add3A_309 : i32 to index
        %get3A_318 = tpu.vector_load %arg9[%get3A_316, %get3A_317] {strides = array<i32>} : memref<2x4096xf32, #tpu.memory_space<vmem>>, vector<1x16xf32>,
        %get3A_319 = vector.shape_cast %get3A_318 : vector<1x16xf32> to vector<16xf32>
        %add3A_320 = arith.addf %get3A_314, %get3A_319 : vector<16xf32>
        %swap3A_321 = arith.constant 1 : i32
        %swap3A_322 = arith.index_cast %swap3A_321 : i32 to index
        %swap3A_323 = arith.index_cast %add3A_309 : i32 to index
        %swap3A_324 = tpu.vector_load %arg13[%swap3A_322, %swap3A_323] {strides = array<i32>} : memref<2x4096xf32, #tpu.memory_space<vmem>>, vector<1x16xf32>,
        %swap3A_325 = vector.shape_cast %swap3A_324 : vector<1x16xf32> to vector<16xf32>
        %swap3A_326 = vector.shape_cast %add3A_320 : vector<16xf32> to vector<1x16xf32>
        tpu.vector_store %arg13[%swap3A_322, %swap3A_323], %swap3A_326 {strides = array<i32>} : memref<2x4096xf32, #tpu.memory_space<vmem>>, vector<1x16xf32>,
        %add3A_327 = arith.constant 80 : i32
        %add3A_328 = arith.addi %mul3A_233, %add3A_327 : i32
        %get3A_329 = arith.constant 1 : i32
        %get3A_330 = arith.index_cast %get3A_329 : i32 to index
        %get3A_331 = arith.index_cast %add3A_328 : i32 to index
        %get3A_332 = tpu.vector_load %arg5[%get3A_330, %get3A_331] {strides = array<i32>} : memref<2x4096xf32, #tpu.memory_space<vmem>>, vector<1x16xf32>,
        %get3A_333 = vector.shape_cast %get3A_332 : vector<1x16xf32> to vector<16xf32>
        %get3A_334 = arith.constant 1 : i32
        %get3A_335 = arith.index_cast %get3A_334 : i32 to index
        %get3A_336 = arith.index_cast %add3A_328 : i32 to index
        %get3A_337 = tpu.vector_load %arg9[%get3A_335, %get3A_336] {strides = array<i32>} : memref<2x4096xf32, #tpu.memory_space<vmem>>, vector<1x16xf32>,
        %get3A_338 = vector.shape_cast %get3A_337 : vector<1x16xf32> to vector<16xf32>
        %add3A_339 = arith.addf %get3A_333, %get3A_338 : vector<16xf32>
        %swap3A_340 = arith.constant 1 : i32
        %swap3A_341 = arith.index_cast %swap3A_340 : i32 to index
        %swap3A_342 = arith.index_cast %add3A_328 : i32 to index
        %swap3A_343 = tpu.vector_load %arg13[%swap3A_341, %swap3A_342] {strides = array<i32>} : memref<2x4096xf32, #tpu.memory_space<vmem>>, vector<1x16xf32>,
        %swap3A_344 = vector.shape_cast %swap3A_343 : vector<1x16xf32> to vector<16xf32>
        %swap3A_345 = vector.shape_cast %add3A_339 : vector<16xf32> to vector<1x16xf32>
        tpu.vector_store %arg13[%swap3A_341, %swap3A_342], %swap3A_345 {strides = array<i32>} : memref<2x4096xf32, #tpu.memory_space<vmem>>, vector<1x16xf32>,
        %add3A_346 = arith.constant 96 : i32
        %add3A_347 = arith.addi %mul3A_233, %add3A_346 : i32
        %get3A_348 = arith.constant 1 : i32
        %get3A_349 = arith.index_cast %get3A_348 : i32 to index
        %get3A_350 = arith.index_cast %add3A_347 : i32 to index
        %get3A_351 = tpu.vector_load %arg5[%get3A_349, %get3A_350] {strides = array<i32>} : memref<2x4096xf32, #tpu.memory_space<vmem>>, vector<1x16xf32>,
        %get3A_352 = vector.shape_cast %get3A_351 : vector<1x16xf32> to vector<16xf32>
        %get3A_353 = arith.constant 1 : i32
        %get3A_354 = arith.index_cast %get3A_353 : i32 to index
        %get3A_355 = arith.index_cast %add3A_347 : i32 to index
        %get3A_356 = tpu.vector_load %arg9[%get3A_354, %get3A_355] {strides = array<i32>} : memref<2x4096xf32, #tpu.memory_space<vmem>>, vector<1x16xf32>,
        %get3A_357 = vector.shape_cast %get3A_356 : vector<1x16xf32> to vector<16xf32>
        %add3A_358 = arith.addf %get3A_352, %get3A_357 : vector<16xf32>
        %swap3A_359 = arith.constant 1 : i32
        %swap3A_360 = arith.index_cast %swap3A_359 : i32 to index
        %swap3A_361 = arith.index_cast %add3A_347 : i32 to index
        %swap3A_362 = tpu.vector_load %arg13[%swap3A_360, %swap3A_361] {strides = array<i32>} : memref<2x4096xf32, #tpu.memory_space<vmem>>, vector<1x16xf32>,
        %swap3A_363 = vector.shape_cast %swap3A_362 : vector<1x16xf32> to vector<16xf32>
        %swap3A_364 = vector.shape_cast %add3A_358 : vector<16xf32> to vector<1x16xf32>
        tpu.vector_store %arg13[%swap3A_360, %swap3A_361], %swap3A_364 {strides = array<i32>} : memref<2x4096xf32, #tpu.memory_space<vmem>>, vector<1x16xf32>,
        %add3A_365 = arith.constant 112 : i32
        %add3A_366 = arith.addi %mul3A_233, %add3A_365 : i32
        %get3A_367 = arith.constant 1 : i32
        %get3A_368 = arith.index_cast %get3A_367 : i32 to index
        %get3A_369 = arith.index_cast %add3A_366 : i32 to index
        %get3A_370 = tpu.vector_load %arg5[%get3A_368, %get3A_369] {strides = array<i32>} : memref<2x4096xf32, #tpu.memory_space<vmem>>, vector<1x16xf32>,
        %get3A_371 = vector.shape_cast %get3A_370 : vector<1x16xf32> to vector<16xf32>
        %get3A_372 = arith.constant 1 : i32
        %get3A_373 = arith.index_cast %get3A_372 : i32 to index
        %get3A_374 = arith.index_cast %add3A_366 : i32 to index
        %get3A_375 = tpu.vector_load %arg9[%get3A_373, %get3A_374] {strides = array<i32>} : memref<2x4096xf32, #tpu.memory_space<vmem>>, vector<1x16xf32>,
        %get3A_376 = vector.shape_cast %get3A_375 : vector<1x16xf32> to vector<16xf32>
        %add3A_377 = arith.addf %get3A_371, %get3A_376 : vector<16xf32>
        %swap3A_378 = arith.constant 1 : i32
        %swap3A_379 = arith.index_cast %swap3A_378 : i32 to index
        %swap3A_380 = arith.index_cast %add3A_366 : i32 to index
        %swap3A_381 = tpu.vector_load %arg13[%swap3A_379, %swap3A_380] {strides = array<i32>} : memref<2x4096xf32, #tpu.memory_space<vmem>>, vector<1x16xf32>,
        %swap3A_382 = vector.shape_cast %swap3A_381 : vector<1x16xf32> to vector<16xf32>
        %swap3A_383 = vector.shape_cast %add3A_377 : vector<16xf32> to vector<1x16xf32>
        tpu.vector_store %arg13[%swap3A_379, %swap3A_380], %swap3A_383 {strides = array<i32>} : memref<2x4096xf32, #tpu.memory_space<vmem>>, vector<1x16xf32>,
      }
      %scan3A_88 = arith.constant 32 : i32
      %mul3A_89 = arith.constant 2 : i32
      %mul3A_90 = arith.muli %add3A_66, %mul3A_89 : i32
      %add3A_91 = arith.addi %mul3A_2, %mul3A_90 : i32
      %dma_start3A_92 = arith.constant 0 : i32
      %dma_start3A_93 = tpu.memref_slice %arg4[%add3A_91, %dma_start3A_92] : memref<4096x4096xf32, #tpu.memory_space<hbm>> -> memref<2x4096xf32, #tpu.memory_space<hbm>>
      %dma_start3A_94 = arith.constant 0 : i32
      %dma_start3A_95 = tpu.memref_slice %arg4[%add3A_91, %dma_start3A_94] : memref<4096x4096xf32, #tpu.memory_space<hbm>> -> memref<2x4096xf32, #tpu.memory_space<hbm>>
      tpu.enqueue_dma source(%arg13 : memref<2x4096xf32, #tpu.memory_space<vmem>>) target(%dma_start3A_95 : memref<2x4096xf32, #tpu.memory_space<hbm>>) target_semaphore(%arg21 : memref<!tpu.dma_semaphore, #tpu.memory_space<semaphore_mem>>)
      %add3A_96 = arith.constant 4 : i32
      %add3A_97 = arith.addi %add3A_66, %add3A_96 : i32
      %lt3A = arith.constant 64 : i32
      %lt3A_98 = arith.cmpi slt, %add3A_97, %lt3A : i32
      %convert_element_type3A_99 = arith.extui %lt3A_98 : i1 to i32
      %cond3A_100 = arith.constant 0 : i32
      %cond3A_101 = arith.cmpi ne, %convert_element_type3A_99, %cond3A_100 : i32
      scf.if %cond3A_101 {
        %add3A_231 = arith.constant 4 : i32
        %add3A_232 = arith.addi %add3A_66, %add3A_231 : i32
        %mul3A_233 = arith.constant 2 : i32
        %mul3A_234 = arith.muli %add3A_232, %mul3A_233 : i32
        %add3A_235 = arith.addi %mul3A_2, %mul3A_234 : i32
        %dma_start3A_236 = arith.constant 0 : i32
        %dma_start3A_237 = tpu.memref_slice %arg2[%add3A_235, %dma_start3A_236] : memref<4096x4096xf32, #tpu.memory_space<hbm>> -> memref<2x4096xf32, #tpu.memory_space<hbm>>
        %dma_start3A_238 = arith.constant 0 : i32
        %dma_start3A_239 = tpu.memref_slice %arg2[%add3A_235, %dma_start3A_238] : memref<4096x4096xf32, #tpu.memory_space<hbm>> -> memref<2x4096xf32, #tpu.memory_space<hbm>>
        tpu.enqueue_dma source(%dma_start3A_239 : memref<2x4096xf32, #tpu.memory_space<hbm>>) target(%arg5 : memref<2x4096xf32, #tpu.memory_space<vmem>>) target_semaphore(%arg17 : memref<!tpu.dma_semaphore, #tpu.memory_space<semaphore_mem>>)
        %dma_start3A_240 = arith.constant 0 : i32
        %dma_start3A_241 = tpu.memref_slice %arg3[%add3A_235, %dma_start3A_240] : memref<4096x4096xf32, #tpu.memory_space<hbm>> -> memref<2x4096xf32, #tpu.memory_space<hbm>>
        %dma_start3A_242 = arith.constant 0 : i32
        %dma_start3A_243 = tpu.memref_slice %arg3[%add3A_235, %dma_start3A_242] : memref<4096x4096xf32, #tpu.memory_space<hbm>> -> memref<2x4096xf32, #tpu.memory_space<hbm>>
        tpu.enqueue_dma source(%dma_start3A_243 : memref<2x4096xf32, #tpu.memory_space<hbm>>) target(%arg9 : memref<2x4096xf32, #tpu.memory_space<vmem>>) target_semaphore(%arg17 : memref<!tpu.dma_semaphore, #tpu.memory_space<semaphore_mem>>)
      } else {
      }
      %mul3A_102 = arith.constant 4 : i32
      %mul3A_103 = arith.muli %mul3A_102, %scan3A_62 : i32
      %add3A_104 = arith.constant 1 : i32
      %add3A_105 = arith.addi %mul3A_103, %add3A_104 : i32
      %dma_wait3A_106 = arith.constant 0 : i32
      %dma_wait3A_107 = tpu.memref_slice %arg2[%mul3A_2, %dma_wait3A_106] : memref<4096x4096xf32, #tpu.memory_space<hbm>> -> memref<2x4096xf32, #tpu.memory_space<hbm>>
      %dma_wait3A_108 = arith.constant 0 : i32
      %dma_wait3A_109 = tpu.memref_slice %arg2[%mul3A_2, %dma_wait3A_108] : memref<4096x4096xf32, #tpu.memory_space<hbm>> -> memref<2x4096xf32, #tpu.memory_space<hbm>>
      tpu.wait_dma2 semaphore(%arg18 : memref<!tpu.dma_semaphore, #tpu.memory_space<semaphore_mem>>) src(%dma_wait3A_109 : memref<2x4096xf32, #tpu.memory_space<hbm>>) dst(%arg6 : memref<2x4096xf32, #tpu.memory_space<vmem>>)
      %dma_wait3A_110 = arith.constant 0 : i32
      %dma_wait3A_111 = tpu.memref_slice %arg3[%mul3A_2, %dma_wait3A_110] : memref<4096x4096xf32, #tpu.memory_space<hbm>> -> memref<2x4096xf32, #tpu.memory_space<hbm>>
      %dma_wait3A_112 = arith.constant 0 : i32
      %dma_wait3A_113 = tpu.memref_slice %arg3[%mul3A_2, %dma_wait3A_112] : memref<4096x4096xf32, #tpu.memory_space<hbm>> -> memref<2x4096xf32, #tpu.memory_space<hbm>>
      tpu.wait_dma2 semaphore(%arg18 : memref<!tpu.dma_semaphore, #tpu.memory_space<semaphore_mem>>) src(%dma_wait3A_113 : memref<2x4096xf32, #tpu.memory_space<hbm>>) dst(%arg10 : memref<2x4096xf32, #tpu.memory_space<vmem>>)
      %ge3A_114 = arith.constant 4 : i32
      %ge3A_115 = arith.cmpi sge, %add3A_105, %ge3A_114 : i32
      %convert_element_type3A_116 = arith.extui %ge3A_115 : i1 to i32
      %cond3A_117 = arith.constant 0 : i32
      %cond3A_118 = arith.cmpi ne, %convert_element_type3A_116, %cond3A_117 : i32
      scf.if %cond3A_118 {
        %dma_wait3A_231 = arith.constant 0 : i32
        %dma_wait3A_232 = tpu.memref_slice %arg4[%mul3A_2, %dma_wait3A_231] : memref<4096x4096xf32, #tpu.memory_space<hbm>> -> memref<2x4096xf32, #tpu.memory_space<hbm>>
        %dma_wait3A_233 = arith.constant 0 : i32
        %dma_wait3A_234 = tpu.memref_slice %arg4[%mul3A_2, %dma_wait3A_233] : memref<4096x4096xf32, #tpu.memory_space<hbm>> -> memref<2x4096xf32, #tpu.memory_space<hbm>>
        tpu.wait_dma2 semaphore(%arg22 : memref<!tpu.dma_semaphore, #tpu.memory_space<semaphore_mem>>) src(%arg14 : memref<2x4096xf32, #tpu.memory_space<vmem>>) dst(%dma_wait3A_234 : memref<2x4096xf32, #tpu.memory_space<hbm>>)
      } else {
      }
      %scan3A_119 = arith.constant 0 : i32
      %scan3A_120 = arith.constant 0 : i32
      %scan3A_121 = arith.constant 32 : i32
      %scan3A_122 = arith.addi %scan3A_120, %scan3A_121 : i32
      %scan3A_123 = arith.constant 1 : i32
      scf.for %scan3A_231 = %scan3A_120 to %scan3A_122 step %scan3A_123  : i32 {
        %mul3A_232 = arith.constant 128 : i32
        %mul3A_233 = arith.muli %scan3A_231, %mul3A_232 : i32
        %add3A_234 = arith.constant 0 : i32
        %add3A_235 = arith.addi %mul3A_233, %add3A_234 : i32
        %get3A = arith.constant 0 : i32
        %get3A_236 = arith.index_cast %get3A : i32 to index
        %get3A_237 = arith.index_cast %add3A_235 : i32 to index
        %get3A_238 = tpu.vector_load %arg6[%get3A_236, %get3A_237] {strides = array<i32>} : memref<2x4096xf32, #tpu.memory_space<vmem>>, vector<1x16xf32>,
        %get3A_239 = vector.shape_cast %get3A_238 : vector<1x16xf32> to vector<16xf32>
        %get3A_240 = arith.constant 0 : i32
        %get3A_241 = arith.index_cast %get3A_240 : i32 to index
        %get3A_242 = arith.index_cast %add3A_235 : i32 to index
        %get3A_243 = tpu.vector_load %arg10[%get3A_241, %get3A_242] {strides = array<i32>} : memref<2x4096xf32, #tpu.memory_space<vmem>>, vector<1x16xf32>,
        %get3A_244 = vector.shape_cast %get3A_243 : vector<1x16xf32> to vector<16xf32>
        %add3A_245 = arith.addf %get3A_239, %get3A_244 : vector<16xf32>
        %swap3A = arith.constant 0 : i32
        %swap3A_246 = arith.index_cast %swap3A : i32 to index
        %swap3A_247 = arith.index_cast %add3A_235 : i32 to index
        %swap3A_248 = tpu.vector_load %arg14[%swap3A_246, %swap3A_247] {strides = array<i32>} : memref<2x4096xf32, #tpu.memory_space<vmem>>, vector<1x16xf32>,
        %swap3A_249 = vector.shape_cast %swap3A_248 : vector<1x16xf32> to vector<16xf32>
        %swap3A_250 = vector.shape_cast %add3A_245 : vector<16xf32> to vector<1x16xf32>
        tpu.vector_store %arg14[%swap3A_246, %swap3A_247], %swap3A_250 {strides = array<i32>} : memref<2x4096xf32, #tpu.memory_space<vmem>>, vector<1x16xf32>,
        %add3A_251 = arith.constant 16 : i32
        %add3A_252 = arith.addi %mul3A_233, %add3A_251 : i32
        %get3A_253 = arith.constant 0 : i32
        %get3A_254 = arith.index_cast %get3A_253 : i32 to index
        %get3A_255 = arith.index_cast %add3A_252 : i32 to index
        %get3A_256 = tpu.vector_load %arg6[%get3A_254, %get3A_255] {strides = array<i32>} : memref<2x4096xf32, #tpu.memory_space<vmem>>, vector<1x16xf32>,
        %get3A_257 = vector.shape_cast %get3A_256 : vector<1x16xf32> to vector<16xf32>
        %get3A_258 = arith.constant 0 : i32
        %get3A_259 = arith.index_cast %get3A_258 : i32 to index
        %get3A_260 = arith.index_cast %add3A_252 : i32 to index
        %get3A_261 = tpu.vector_load %arg10[%get3A_259, %get3A_260] {strides = array<i32>} : memref<2x4096xf32, #tpu.memory_space<vmem>>, vector<1x16xf32>,
        %get3A_262 = vector.shape_cast %get3A_261 : vector<1x16xf32> to vector<16xf32>
        %add3A_263 = arith.addf %get3A_257, %get3A_262 : vector<16xf32>
        %swap3A_264 = arith.constant 0 : i32
        %swap3A_265 = arith.index_cast %swap3A_264 : i32 to index
        %swap3A_266 = arith.index_cast %add3A_252 : i32 to index
        %swap3A_267 = tpu.vector_load %arg14[%swap3A_265, %swap3A_266] {strides = array<i32>} : memref<2x4096xf32, #tpu.memory_space<vmem>>, vector<1x16xf32>,
        %swap3A_268 = vector.shape_cast %swap3A_267 : vector<1x16xf32> to vector<16xf32>
        %swap3A_269 = vector.shape_cast %add3A_263 : vector<16xf32> to vector<1x16xf32>
        tpu.vector_store %arg14[%swap3A_265, %swap3A_266], %swap3A_269 {strides = array<i32>} : memref<2x4096xf32, #tpu.memory_space<vmem>>, vector<1x16xf32>,
        %add3A_270 = arith.constant 32 : i32
        %add3A_271 = arith.addi %mul3A_233, %add3A_270 : i32
        %get3A_272 = arith.constant 0 : i32
        %get3A_273 = arith.index_cast %get3A_272 : i32 to index
        %get3A_274 = arith.index_cast %add3A_271 : i32 to index
        %get3A_275 = tpu.vector_load %arg6[%get3A_273, %get3A_274] {strides = array<i32>} : memref<2x4096xf32, #tpu.memory_space<vmem>>, vector<1x16xf32>,
        %get3A_276 = vector.shape_cast %get3A_275 : vector<1x16xf32> to vector<16xf32>
        %get3A_277 = arith.constant 0 : i32
        %get3A_278 = arith.index_cast %get3A_277 : i32 to index
        %get3A_279 = arith.index_cast %add3A_271 : i32 to index
        %get3A_280 = tpu.vector_load %arg10[%get3A_278, %get3A_279] {strides = array<i32>} : memref<2x4096xf32, #tpu.memory_space<vmem>>, vector<1x16xf32>,
        %get3A_281 = vector.shape_cast %get3A_280 : vector<1x16xf32> to vector<16xf32>
        %add3A_282 = arith.addf %get3A_276, %get3A_281 : vector<16xf32>
        %swap3A_283 = arith.constant 0 : i32
        %swap3A_284 = arith.index_cast %swap3A_283 : i32 to index
        %swap3A_285 = arith.index_cast %add3A_271 : i32 to index
        %swap3A_286 = tpu.vector_load %arg14[%swap3A_284, %swap3A_285] {strides = array<i32>} : memref<2x4096xf32, #tpu.memory_space<vmem>>, vector<1x16xf32>,
        %swap3A_287 = vector.shape_cast %swap3A_286 : vector<1x16xf32> to vector<16xf32>
        %swap3A_288 = vector.shape_cast %add3A_282 : vector<16xf32> to vector<1x16xf32>
        tpu.vector_store %arg14[%swap3A_284, %swap3A_285], %swap3A_288 {strides = array<i32>} : memref<2x4096xf32, #tpu.memory_space<vmem>>, vector<1x16xf32>,
        %add3A_289 = arith.constant 48 : i32
        %add3A_290 = arith.addi %mul3A_233, %add3A_289 : i32
        %get3A_291 = arith.constant 0 : i32
        %get3A_292 = arith.index_cast %get3A_291 : i32 to index
        %get3A_293 = arith.index_cast %add3A_290 : i32 to index
        %get3A_294 = tpu.vector_load %arg6[%get3A_292, %get3A_293] {strides = array<i32>} : memref<2x4096xf32, #tpu.memory_space<vmem>>, vector<1x16xf32>,
        %get3A_295 = vector.shape_cast %get3A_294 : vector<1x16xf32> to vector<16xf32>
        %get3A_296 = arith.constant 0 : i32
        %get3A_297 = arith.index_cast %get3A_296 : i32 to index
        %get3A_298 = arith.index_cast %add3A_290 : i32 to index
        %get3A_299 = tpu.vector_load %arg10[%get3A_297, %get3A_298] {strides = array<i32>} : memref<2x4096xf32, #tpu.memory_space<vmem>>, vector<1x16xf32>,
        %get3A_300 = vector.shape_cast %get3A_299 : vector<1x16xf32> to vector<16xf32>
        %add3A_301 = arith.addf %get3A_295, %get3A_300 : vector<16xf32>
        %swap3A_302 = arith.constant 0 : i32
        %swap3A_303 = arith.index_cast %swap3A_302 : i32 to index
        %swap3A_304 = arith.index_cast %add3A_290 : i32 to index
        %swap3A_305 = tpu.vector_load %arg14[%swap3A_303, %swap3A_304] {strides = array<i32>} : memref<2x4096xf32, #tpu.memory_space<vmem>>, vector<1x16xf32>,
        %swap3A_306 = vector.shape_cast %swap3A_305 : vector<1x16xf32> to vector<16xf32>
        %swap3A_307 = vector.shape_cast %add3A_301 : vector<16xf32> to vector<1x16xf32>
        tpu.vector_store %arg14[%swap3A_303, %swap3A_304], %swap3A_307 {strides = array<i32>} : memref<2x4096xf32, #tpu.memory_space<vmem>>, vector<1x16xf32>,
        %add3A_308 = arith.constant 64 : i32
        %add3A_309 = arith.addi %mul3A_233, %add3A_308 : i32
        %get3A_310 = arith.constant 0 : i32
        %get3A_311 = arith.index_cast %get3A_310 : i32 to index
        %get3A_312 = arith.index_cast %add3A_309 : i32 to index
        %get3A_313 = tpu.vector_load %arg6[%get3A_311, %get3A_312] {strides = array<i32>} : memref<2x4096xf32, #tpu.memory_space<vmem>>, vector<1x16xf32>,
        %get3A_314 = vector.shape_cast %get3A_313 : vector<1x16xf32> to vector<16xf32>
        %get3A_315 = arith.constant 0 : i32
        %get3A_316 = arith.index_cast %get3A_315 : i32 to index
        %get3A_317 = arith.index_cast %add3A_309 : i32 to index
        %get3A_318 = tpu.vector_load %arg10[%get3A_316, %get3A_317] {strides = array<i32>} : memref<2x4096xf32, #tpu.memory_space<vmem>>, vector<1x16xf32>,
        %get3A_319 = vector.shape_cast %get3A_318 : vector<1x16xf32> to vector<16xf32>
        %add3A_320 = arith.addf %get3A_314, %get3A_319 : vector<16xf32>
        %swap3A_321 = arith.constant 0 : i32
        %swap3A_322 = arith.index_cast %swap3A_321 : i32 to index
        %swap3A_323 = arith.index_cast %add3A_309 : i32 to index
        %swap3A_324 = tpu.vector_load %arg14[%swap3A_322, %swap3A_323] {strides = array<i32>} : memref<2x4096xf32, #tpu.memory_space<vmem>>, vector<1x16xf32>,
        %swap3A_325 = vector.shape_cast %swap3A_324 : vector<1x16xf32> to vector<16xf32>
        %swap3A_326 = vector.shape_cast %add3A_320 : vector<16xf32> to vector<1x16xf32>
        tpu.vector_store %arg14[%swap3A_322, %swap3A_323], %swap3A_326 {strides = array<i32>} : memref<2x4096xf32, #tpu.memory_space<vmem>>, vector<1x16xf32>,
        %add3A_327 = arith.constant 80 : i32
        %add3A_328 = arith.addi %mul3A_233, %add3A_327 : i32
        %get3A_329 = arith.constant 0 : i32
        %get3A_330 = arith.index_cast %get3A_329 : i32 to index
        %get3A_331 = arith.index_cast %add3A_328 : i32 to index
        %get3A_332 = tpu.vector_load %arg6[%get3A_330, %get3A_331] {strides = array<i32>} : memref<2x4096xf32, #tpu.memory_space<vmem>>, vector<1x16xf32>,
        %get3A_333 = vector.shape_cast %get3A_332 : vector<1x16xf32> to vector<16xf32>
        %get3A_334 = arith.constant 0 : i32
        %get3A_335 = arith.index_cast %get3A_334 : i32 to index
        %get3A_336 = arith.index_cast %add3A_328 : i32 to index
        %get3A_337 = tpu.vector_load %arg10[%get3A_335, %get3A_336] {strides = array<i32>} : memref<2x4096xf32, #tpu.memory_space<vmem>>, vector<1x16xf32>,
        %get3A_338 = vector.shape_cast %get3A_337 : vector<1x16xf32> to vector<16xf32>
        %add3A_339 = arith.addf %get3A_333, %get3A_338 : vector<16xf32>
        %swap3A_340 = arith.constant 0 : i32
        %swap3A_341 = arith.index_cast %swap3A_340 : i32 to index
        %swap3A_342 = arith.index_cast %add3A_328 : i32 to index
        %swap3A_343 = tpu.vector_load %arg14[%swap3A_341, %swap3A_342] {strides = array<i32>} : memref<2x4096xf32, #tpu.memory_space<vmem>>, vector<1x16xf32>,
        %swap3A_344 = vector.shape_cast %swap3A_343 : vector<1x16xf32> to vector<16xf32>
        %swap3A_345 = vector.shape_cast %add3A_339 : vector<16xf32> to vector<1x16xf32>
        tpu.vector_store %arg14[%swap3A_341, %swap3A_342], %swap3A_345 {strides = array<i32>} : memref<2x4096xf32, #tpu.memory_space<vmem>>, vector<1x16xf32>,
        %add3A_346 = arith.constant 96 : i32
        %add3A_347 = arith.addi %mul3A_233, %add3A_346 : i32
        %get3A_348 = arith.constant 0 : i32
        %get3A_349 = arith.index_cast %get3A_348 : i32 to index
        %get3A_350 = arith.index_cast %add3A_347 : i32 to index
        %get3A_351 = tpu.vector_load %arg6[%get3A_349, %get3A_350] {strides = array<i32>} : memref<2x4096xf32, #tpu.memory_space<vmem>>, vector<1x16xf32>,
        %get3A_352 = vector.shape_cast %get3A_351 : vector<1x16xf32> to vector<16xf32>
        %get3A_353 = arith.constant 0 : i32
        %get3A_354 = arith.index_cast %get3A_353 : i32 to index
        %get3A_355 = arith.index_cast %add3A_347 : i32 to index
        %get3A_356 = tpu.vector_load %arg10[%get3A_354, %get3A_355] {strides = array<i32>} : memref<2x4096xf32, #tpu.memory_space<vmem>>, vector<1x16xf32>,
        %get3A_357 = vector.shape_cast %get3A_356 : vector<1x16xf32> to vector<16xf32>
        %add3A_358 = arith.addf %get3A_352, %get3A_357 : vector<16xf32>
        %swap3A_359 = arith.constant 0 : i32
        %swap3A_360 = arith.index_cast %swap3A_359 : i32 to index
        %swap3A_361 = arith.index_cast %add3A_347 : i32 to index
        %swap3A_362 = tpu.vector_load %arg14[%swap3A_360, %swap3A_361] {strides = array<i32>} : memref<2x4096xf32, #tpu.memory_space<vmem>>, vector<1x16xf32>,
        %swap3A_363 = vector.shape_cast %swap3A_362 : vector<1x16xf32> to vector<16xf32>
        %swap3A_364 = vector.shape_cast %add3A_358 : vector<16xf32> to vector<1x16xf32>
        tpu.vector_store %arg14[%swap3A_360, %swap3A_361], %swap3A_364 {strides = array<i32>} : memref<2x4096xf32, #tpu.memory_space<vmem>>, vector<1x16xf32>,
        %add3A_365 = arith.constant 112 : i32
        %add3A_366 = arith.addi %mul3A_233, %add3A_365 : i32
        %get3A_367 = arith.constant 0 : i32
        %get3A_368 = arith.index_cast %get3A_367 : i32 to index
        %get3A_369 = arith.index_cast %add3A_366 : i32 to index
        %get3A_370 = tpu.vector_load %arg6[%get3A_368, %get3A_369] {strides = array<i32>} : memref<2x4096xf32, #tpu.memory_space<vmem>>, vector<1x16xf32>,
        %get3A_371 = vector.shape_cast %get3A_370 : vector<1x16xf32> to vector<16xf32>
        %get3A_372 = arith.constant 0 : i32
        %get3A_373 = arith.index_cast %get3A_372 : i32 to index
        %get3A_374 = arith.index_cast %add3A_366 : i32 to index
        %get3A_375 = tpu.vector_load %arg10[%get3A_373, %get3A_374] {strides = array<i32>} : memref<2x4096xf32, #tpu.memory_space<vmem>>, vector<1x16xf32>,
        %get3A_376 = vector.shape_cast %get3A_375 : vector<1x16xf32> to vector<16xf32>
        %add3A_377 = arith.addf %get3A_371, %get3A_376 : vector<16xf32>
        %swap3A_378 = arith.constant 0 : i32
        %swap3A_379 = arith.index_cast %swap3A_378 : i32 to index
        %swap3A_380 = arith.index_cast %add3A_366 : i32 to index
        %swap3A_381 = tpu.vector_load %arg14[%swap3A_379, %swap3A_380] {strides = array<i32>} : memref<2x4096xf32, #tpu.memory_space<vmem>>, vector<1x16xf32>,
        %swap3A_382 = vector.shape_cast %swap3A_381 : vector<1x16xf32> to vector<16xf32>
        %swap3A_383 = vector.shape_cast %add3A_377 : vector<16xf32> to vector<1x16xf32>
        tpu.vector_store %arg14[%swap3A_379, %swap3A_380], %swap3A_383 {strides = array<i32>} : memref<2x4096xf32, #tpu.memory_space<vmem>>, vector<1x16xf32>,
      }
      %scan3A_124 = arith.constant 32 : i32
      %scan3A_125 = arith.constant 0 : i32
      %scan3A_126 = arith.constant 0 : i32
      %scan3A_127 = arith.constant 32 : i32
      %scan3A_128 = arith.addi %scan3A_126, %scan3A_127 : i32
      %scan3A_129 = arith.constant 1 : i32
      scf.for %scan3A_231 = %scan3A_126 to %scan3A_128 step %scan3A_129  : i32 {
        %mul3A_232 = arith.constant 128 : i32
        %mul3A_233 = arith.muli %scan3A_231, %mul3A_232 : i32
        %add3A_234 = arith.constant 0 : i32
        %add3A_235 = arith.addi %mul3A_233, %add3A_234 : i32
        %get3A = arith.constant 1 : i32
        %get3A_236 = arith.index_cast %get3A : i32 to index
        %get3A_237 = arith.index_cast %add3A_235 : i32 to index
        %get3A_238 = tpu.vector_load %arg6[%get3A_236, %get3A_237] {strides = array<i32>} : memref<2x4096xf32, #tpu.memory_space<vmem>>, vector<1x16xf32>,
        %get3A_239 = vector.shape_cast %get3A_238 : vector<1x16xf32> to vector<16xf32>
        %get3A_240 = arith.constant 1 : i32
        %get3A_241 = arith.index_cast %get3A_240 : i32 to index
        %get3A_242 = arith.index_cast %add3A_235 : i32 to index
        %get3A_243 = tpu.vector_load %arg10[%get3A_241, %get3A_242] {strides = array<i32>} : memref<2x4096xf32, #tpu.memory_space<vmem>>, vector<1x16xf32>,
        %get3A_244 = vector.shape_cast %get3A_243 : vector<1x16xf32> to vector<16xf32>
        %add3A_245 = arith.addf %get3A_239, %get3A_244 : vector<16xf32>
        %swap3A = arith.constant 1 : i32
        %swap3A_246 = arith.index_cast %swap3A : i32 to index
        %swap3A_247 = arith.index_cast %add3A_235 : i32 to index
        %swap3A_248 = tpu.vector_load %arg14[%swap3A_246, %swap3A_247] {strides = array<i32>} : memref<2x4096xf32, #tpu.memory_space<vmem>>, vector<1x16xf32>,
        %swap3A_249 = vector.shape_cast %swap3A_248 : vector<1x16xf32> to vector<16xf32>
        %swap3A_250 = vector.shape_cast %add3A_245 : vector<16xf32> to vector<1x16xf32>
        tpu.vector_store %arg14[%swap3A_246, %swap3A_247], %swap3A_250 {strides = array<i32>} : memref<2x4096xf32, #tpu.memory_space<vmem>>, vector<1x16xf32>,
        %add3A_251 = arith.constant 16 : i32
        %add3A_252 = arith.addi %mul3A_233, %add3A_251 : i32
        %get3A_253 = arith.constant 1 : i32
        %get3A_254 = arith.index_cast %get3A_253 : i32 to index
        %get3A_255 = arith.index_cast %add3A_252 : i32 to index
        %get3A_256 = tpu.vector_load %arg6[%get3A_254, %get3A_255] {strides = array<i32>} : memref<2x4096xf32, #tpu.memory_space<vmem>>, vector<1x16xf32>,
        %get3A_257 = vector.shape_cast %get3A_256 : vector<1x16xf32> to vector<16xf32>
        %get3A_258 = arith.constant 1 : i32
        %get3A_259 = arith.index_cast %get3A_258 : i32 to index
        %get3A_260 = arith.index_cast %add3A_252 : i32 to index
        %get3A_261 = tpu.vector_load %arg10[%get3A_259, %get3A_260] {strides = array<i32>} : memref<2x4096xf32, #tpu.memory_space<vmem>>, vector<1x16xf32>,
        %get3A_262 = vector.shape_cast %get3A_261 : vector<1x16xf32> to vector<16xf32>
        %add3A_263 = arith.addf %get3A_257, %get3A_262 : vector<16xf32>
        %swap3A_264 = arith.constant 1 : i32
        %swap3A_265 = arith.index_cast %swap3A_264 : i32 to index
        %swap3A_266 = arith.index_cast %add3A_252 : i32 to index
        %swap3A_267 = tpu.vector_load %arg14[%swap3A_265, %swap3A_266] {strides = array<i32>} : memref<2x4096xf32, #tpu.memory_space<vmem>>, vector<1x16xf32>,
        %swap3A_268 = vector.shape_cast %swap3A_267 : vector<1x16xf32> to vector<16xf32>
        %swap3A_269 = vector.shape_cast %add3A_263 : vector<16xf32> to vector<1x16xf32>
        tpu.vector_store %arg14[%swap3A_265, %swap3A_266], %swap3A_269 {strides = array<i32>} : memref<2x4096xf32, #tpu.memory_space<vmem>>, vector<1x16xf32>,
        %add3A_270 = arith.constant 32 : i32
        %add3A_271 = arith.addi %mul3A_233, %add3A_270 : i32
        %get3A_272 = arith.constant 1 : i32
        %get3A_273 = arith.index_cast %get3A_272 : i32 to index
        %get3A_274 = arith.index_cast %add3A_271 : i32 to index
        %get3A_275 = tpu.vector_load %arg6[%get3A_273, %get3A_274] {strides = array<i32>} : memref<2x4096xf32, #tpu.memory_space<vmem>>, vector<1x16xf32>,
        %get3A_276 = vector.shape_cast %get3A_275 : vector<1x16xf32> to vector<16xf32>
        %get3A_277 = arith.constant 1 : i32
        %get3A_278 = arith.index_cast %get3A_277 : i32 to index
        %get3A_279 = arith.index_cast %add3A_271 : i32 to index
        %get3A_280 = tpu.vector_load %arg10[%get3A_278, %get3A_279] {strides = array<i32>} : memref<2x4096xf32, #tpu.memory_space<vmem>>, vector<1x16xf32>,
        %get3A_281 = vector.shape_cast %get3A_280 : vector<1x16xf32> to vector<16xf32>
        %add3A_282 = arith.addf %get3A_276, %get3A_281 : vector<16xf32>
        %swap3A_283 = arith.constant 1 : i32
        %swap3A_284 = arith.index_cast %swap3A_283 : i32 to index
        %swap3A_285 = arith.index_cast %add3A_271 : i32 to index
        %swap3A_286 = tpu.vector_load %arg14[%swap3A_284, %swap3A_285] {strides = array<i32>} : memref<2x4096xf32, #tpu.memory_space<vmem>>, vector<1x16xf32>,
        %swap3A_287 = vector.shape_cast %swap3A_286 : vector<1x16xf32> to vector<16xf32>
        %swap3A_288 = vector.shape_cast %add3A_282 : vector<16xf32> to vector<1x16xf32>
        tpu.vector_store %arg14[%swap3A_284, %swap3A_285], %swap3A_288 {strides = array<i32>} : memref<2x4096xf32, #tpu.memory_space<vmem>>, vector<1x16xf32>,
        %add3A_289 = arith.constant 48 : i32
        %add3A_290 = arith.addi %mul3A_233, %add3A_289 : i32
        %get3A_291 = arith.constant 1 : i32
        %get3A_292 = arith.index_cast %get3A_291 : i32 to index
        %get3A_293 = arith.index_cast %add3A_290 : i32 to index
        %get3A_294 = tpu.vector_load %arg6[%get3A_292, %get3A_293] {strides = array<i32>} : memref<2x4096xf32, #tpu.memory_space<vmem>>, vector<1x16xf32>,
        %get3A_295 = vector.shape_cast %get3A_294 : vector<1x16xf32> to vector<16xf32>
        %get3A_296 = arith.constant 1 : i32
        %get3A_297 = arith.index_cast %get3A_296 : i32 to index
        %get3A_298 = arith.index_cast %add3A_290 : i32 to index
        %get3A_299 = tpu.vector_load %arg10[%get3A_297, %get3A_298] {strides = array<i32>} : memref<2x4096xf32, #tpu.memory_space<vmem>>, vector<1x16xf32>,
        %get3A_300 = vector.shape_cast %get3A_299 : vector<1x16xf32> to vector<16xf32>
        %add3A_301 = arith.addf %get3A_295, %get3A_300 : vector<16xf32>
        %swap3A_302 = arith.constant 1 : i32
        %swap3A_303 = arith.index_cast %swap3A_302 : i32 to index
        %swap3A_304 = arith.index_cast %add3A_290 : i32 to index
        %swap3A_305 = tpu.vector_load %arg14[%swap3A_303, %swap3A_304] {strides = array<i32>} : memref<2x4096xf32, #tpu.memory_space<vmem>>, vector<1x16xf32>,
        %swap3A_306 = vector.shape_cast %swap3A_305 : vector<1x16xf32> to vector<16xf32>
        %swap3A_307 = vector.shape_cast %add3A_301 : vector<16xf32> to vector<1x16xf32>
        tpu.vector_store %arg14[%swap3A_303, %swap3A_304], %swap3A_307 {strides = array<i32>} : memref<2x4096xf32, #tpu.memory_space<vmem>>, vector<1x16xf32>,
        %add3A_308 = arith.constant 64 : i32
        %add3A_309 = arith.addi %mul3A_233, %add3A_308 : i32
        %get3A_310 = arith.constant 1 : i32
        %get3A_311 = arith.index_cast %get3A_310 : i32 to index
        %get3A_312 = arith.index_cast %add3A_309 : i32 to index
        %get3A_313 = tpu.vector_load %arg6[%get3A_311, %get3A_312] {strides = array<i32>} : memref<2x4096xf32, #tpu.memory_space<vmem>>, vector<1x16xf32>,
        %get3A_314 = vector.shape_cast %get3A_313 : vector<1x16xf32> to vector<16xf32>
        %get3A_315 = arith.constant 1 : i32
        %get3A_316 = arith.index_cast %get3A_315 : i32 to index
        %get3A_317 = arith.index_cast %add3A_309 : i32 to index
        %get3A_318 = tpu.vector_load %arg10[%get3A_316, %get3A_317] {strides = array<i32>} : memref<2x4096xf32, #tpu.memory_space<vmem>>, vector<1x16xf32>,
        %get3A_319 = vector.shape_cast %get3A_318 : vector<1x16xf32> to vector<16xf32>
        %add3A_320 = arith.addf %get3A_314, %get3A_319 : vector<16xf32>
        %swap3A_321 = arith.constant 1 : i32
        %swap3A_322 = arith.index_cast %swap3A_321 : i32 to index
        %swap3A_323 = arith.index_cast %add3A_309 : i32 to index
        %swap3A_324 = tpu.vector_load %arg14[%swap3A_322, %swap3A_323] {strides = array<i32>} : memref<2x4096xf32, #tpu.memory_space<vmem>>, vector<1x16xf32>,
        %swap3A_325 = vector.shape_cast %swap3A_324 : vector<1x16xf32> to vector<16xf32>
        %swap3A_326 = vector.shape_cast %add3A_320 : vector<16xf32> to vector<1x16xf32>
        tpu.vector_store %arg14[%swap3A_322, %swap3A_323], %swap3A_326 {strides = array<i32>} : memref<2x4096xf32, #tpu.memory_space<vmem>>, vector<1x16xf32>,
        %add3A_327 = arith.constant 80 : i32
        %add3A_328 = arith.addi %mul3A_233, %add3A_327 : i32
        %get3A_329 = arith.constant 1 : i32
        %get3A_330 = arith.index_cast %get3A_329 : i32 to index
        %get3A_331 = arith.index_cast %add3A_328 : i32 to index
        %get3A_332 = tpu.vector_load %arg6[%get3A_330, %get3A_331] {strides = array<i32>} : memref<2x4096xf32, #tpu.memory_space<vmem>>, vector<1x16xf32>,
        %get3A_333 = vector.shape_cast %get3A_332 : vector<1x16xf32> to vector<16xf32>
        %get3A_334 = arith.constant 1 : i32
        %get3A_335 = arith.index_cast %get3A_334 : i32 to index
        %get3A_336 = arith.index_cast %add3A_328 : i32 to index
        %get3A_337 = tpu.vector_load %arg10[%get3A_335, %get3A_336] {strides = array<i32>} : memref<2x4096xf32, #tpu.memory_space<vmem>>, vector<1x16xf32>,
        %get3A_338 = vector.shape_cast %get3A_337 : vector<1x16xf32> to vector<16xf32>
        %add3A_339 = arith.addf %get3A_333, %get3A_338 : vector<16xf32>
        %swap3A_340 = arith.constant 1 : i32
        %swap3A_341 = arith.index_cast %swap3A_340 : i32 to index
        %swap3A_342 = arith.index_cast %add3A_328 : i32 to index
        %swap3A_343 = tpu.vector_load %arg14[%swap3A_341, %swap3A_342] {strides = array<i32>} : memref<2x4096xf32, #tpu.memory_space<vmem>>, vector<1x16xf32>,
        %swap3A_344 = vector.shape_cast %swap3A_343 : vector<1x16xf32> to vector<16xf32>
        %swap3A_345 = vector.shape_cast %add3A_339 : vector<16xf32> to vector<1x16xf32>
        tpu.vector_store %arg14[%swap3A_341, %swap3A_342], %swap3A_345 {strides = array<i32>} : memref<2x4096xf32, #tpu.memory_space<vmem>>, vector<1x16xf32>,
        %add3A_346 = arith.constant 96 : i32
        %add3A_347 = arith.addi %mul3A_233, %add3A_346 : i32
        %get3A_348 = arith.constant 1 : i32
        %get3A_349 = arith.index_cast %get3A_348 : i32 to index
        %get3A_350 = arith.index_cast %add3A_347 : i32 to index
        %get3A_351 = tpu.vector_load %arg6[%get3A_349, %get3A_350] {strides = array<i32>} : memref<2x4096xf32, #tpu.memory_space<vmem>>, vector<1x16xf32>,
        %get3A_352 = vector.shape_cast %get3A_351 : vector<1x16xf32> to vector<16xf32>
        %get3A_353 = arith.constant 1 : i32
        %get3A_354 = arith.index_cast %get3A_353 : i32 to index
        %get3A_355 = arith.index_cast %add3A_347 : i32 to index
        %get3A_356 = tpu.vector_load %arg10[%get3A_354, %get3A_355] {strides = array<i32>} : memref<2x4096xf32, #tpu.memory_space<vmem>>, vector<1x16xf32>,
        %get3A_357 = vector.shape_cast %get3A_356 : vector<1x16xf32> to vector<16xf32>
        %add3A_358 = arith.addf %get3A_352, %get3A_357 : vector<16xf32>
        %swap3A_359 = arith.constant 1 : i32
        %swap3A_360 = arith.index_cast %swap3A_359 : i32 to index
        %swap3A_361 = arith.index_cast %add3A_347 : i32 to index
        %swap3A_362 = tpu.vector_load %arg14[%swap3A_360, %swap3A_361] {strides = array<i32>} : memref<2x4096xf32, #tpu.memory_space<vmem>>, vector<1x16xf32>,
        %swap3A_363 = vector.shape_cast %swap3A_362 : vector<1x16xf32> to vector<16xf32>
        %swap3A_364 = vector.shape_cast %add3A_358 : vector<16xf32> to vector<1x16xf32>
        tpu.vector_store %arg14[%swap3A_360, %swap3A_361], %swap3A_364 {strides = array<i32>} : memref<2x4096xf32, #tpu.memory_space<vmem>>, vector<1x16xf32>,
        %add3A_365 = arith.constant 112 : i32
        %add3A_366 = arith.addi %mul3A_233, %add3A_365 : i32
        %get3A_367 = arith.constant 1 : i32
        %get3A_368 = arith.index_cast %get3A_367 : i32 to index
        %get3A_369 = arith.index_cast %add3A_366 : i32 to index
        %get3A_370 = tpu.vector_load %arg6[%get3A_368, %get3A_369] {strides = array<i32>} : memref<2x4096xf32, #tpu.memory_space<vmem>>, vector<1x16xf32>,
        %get3A_371 = vector.shape_cast %get3A_370 : vector<1x16xf32> to vector<16xf32>
        %get3A_372 = arith.constant 1 : i32
        %get3A_373 = arith.index_cast %get3A_372 : i32 to index
        %get3A_374 = arith.index_cast %add3A_366 : i32 to index
        %get3A_375 = tpu.vector_load %arg10[%get3A_373, %get3A_374] {strides = array<i32>} : memref<2x4096xf32, #tpu.memory_space<vmem>>, vector<1x16xf32>,
        %get3A_376 = vector.shape_cast %get3A_375 : vector<1x16xf32> to vector<16xf32>
        %add3A_377 = arith.addf %get3A_371, %get3A_376 : vector<16xf32>
        %swap3A_378 = arith.constant 1 : i32
        %swap3A_379 = arith.index_cast %swap3A_378 : i32 to index
        %swap3A_380 = arith.index_cast %add3A_366 : i32 to index
        %swap3A_381 = tpu.vector_load %arg14[%swap3A_379, %swap3A_380] {strides = array<i32>} : memref<2x4096xf32, #tpu.memory_space<vmem>>, vector<1x16xf32>,
        %swap3A_382 = vector.shape_cast %swap3A_381 : vector<1x16xf32> to vector<16xf32>
        %swap3A_383 = vector.shape_cast %add3A_377 : vector<16xf32> to vector<1x16xf32>
        tpu.vector_store %arg14[%swap3A_379, %swap3A_380], %swap3A_383 {strides = array<i32>} : memref<2x4096xf32, #tpu.memory_space<vmem>>, vector<1x16xf32>,
      }
      %scan3A_130 = arith.constant 32 : i32
      %mul3A_131 = arith.constant 2 : i32
      %mul3A_132 = arith.muli %add3A_105, %mul3A_131 : i32
      %add3A_133 = arith.addi %mul3A_2, %mul3A_132 : i32
      %dma_start3A_134 = arith.constant 0 : i32
      %dma_start3A_135 = tpu.memref_slice %arg4[%add3A_133, %dma_start3A_134] : memref<4096x4096xf32, #tpu.memory_space<hbm>> -> memref<2x4096xf32, #tpu.memory_space<hbm>>
      %dma_start3A_136 = arith.constant 0 : i32
      %dma_start3A_137 = tpu.memref_slice %arg4[%add3A_133, %dma_start3A_136] : memref<4096x4096xf32, #tpu.memory_space<hbm>> -> memref<2x4096xf32, #tpu.memory_space<hbm>>
      tpu.enqueue_dma source(%arg14 : memref<2x4096xf32, #tpu.memory_space<vmem>>) target(%dma_start3A_137 : memref<2x4096xf32, #tpu.memory_space<hbm>>) target_semaphore(%arg22 : memref<!tpu.dma_semaphore, #tpu.memory_space<semaphore_mem>>)
      %add3A_138 = arith.constant 4 : i32
      %add3A_139 = arith.addi %add3A_105, %add3A_138 : i32
      %lt3A_140 = arith.constant 64 : i32
      %lt3A_141 = arith.cmpi slt, %add3A_139, %lt3A_140 : i32
      %convert_element_type3A_142 = arith.extui %lt3A_141 : i1 to i32
      %cond3A_143 = arith.constant 0 : i32
      %cond3A_144 = arith.cmpi ne, %convert_element_type3A_142, %cond3A_143 : i32
      scf.if %cond3A_144 {
        %add3A_231 = arith.constant 4 : i32
        %add3A_232 = arith.addi %add3A_105, %add3A_231 : i32
        %mul3A_233 = arith.constant 2 : i32
        %mul3A_234 = arith.muli %add3A_232, %mul3A_233 : i32
        %add3A_235 = arith.addi %mul3A_2, %mul3A_234 : i32
        %dma_start3A_236 = arith.constant 0 : i32
        %dma_start3A_237 = tpu.memref_slice %arg2[%add3A_235, %dma_start3A_236] : memref<4096x4096xf32, #tpu.memory_space<hbm>> -> memref<2x4096xf32, #tpu.memory_space<hbm>>
        %dma_start3A_238 = arith.constant 0 : i32
        %dma_start3A_239 = tpu.memref_slice %arg2[%add3A_235, %dma_start3A_238] : memref<4096x4096xf32, #tpu.memory_space<hbm>> -> memref<2x4096xf32, #tpu.memory_space<hbm>>
        tpu.enqueue_dma source(%dma_start3A_239 : memref<2x4096xf32, #tpu.memory_space<hbm>>) target(%arg6 : memref<2x4096xf32, #tpu.memory_space<vmem>>) target_semaphore(%arg18 : memref<!tpu.dma_semaphore, #tpu.memory_space<semaphore_mem>>)
        %dma_start3A_240 = arith.constant 0 : i32
        %dma_start3A_241 = tpu.memref_slice %arg3[%add3A_235, %dma_start3A_240] : memref<4096x4096xf32, #tpu.memory_space<hbm>> -> memref<2x4096xf32, #tpu.memory_space<hbm>>
        %dma_start3A_242 = arith.constant 0 : i32
        %dma_start3A_243 = tpu.memref_slice %arg3[%add3A_235, %dma_start3A_242] : memref<4096x4096xf32, #tpu.memory_space<hbm>> -> memref<2x4096xf32, #tpu.memory_space<hbm>>
        tpu.enqueue_dma source(%dma_start3A_243 : memref<2x4096xf32, #tpu.memory_space<hbm>>) target(%arg10 : memref<2x4096xf32, #tpu.memory_space<vmem>>) target_semaphore(%arg18 : memref<!tpu.dma_semaphore, #tpu.memory_space<semaphore_mem>>)
      } else {
      }
      %mul3A_145 = arith.constant 4 : i32
      %mul3A_146 = arith.muli %mul3A_145, %scan3A_62 : i32
      %add3A_147 = arith.constant 2 : i32
      %add3A_148 = arith.addi %mul3A_146, %add3A_147 : i32
      %dma_wait3A_149 = arith.constant 0 : i32
      %dma_wait3A_150 = tpu.memref_slice %arg2[%mul3A_2, %dma_wait3A_149] : memref<4096x4096xf32, #tpu.memory_space<hbm>> -> memref<2x4096xf32, #tpu.memory_space<hbm>>
      %dma_wait3A_151 = arith.constant 0 : i32
      %dma_wait3A_152 = tpu.memref_slice %arg2[%mul3A_2, %dma_wait3A_151] : memref<4096x4096xf32, #tpu.memory_space<hbm>> -> memref<2x4096xf32, #tpu.memory_space<hbm>>
      tpu.wait_dma2 semaphore(%arg19 : memref<!tpu.dma_semaphore, #tpu.memory_space<semaphore_mem>>) src(%dma_wait3A_152 : memref<2x4096xf32, #tpu.memory_space<hbm>>) dst(%arg7 : memref<2x4096xf32, #tpu.memory_space<vmem>>)
      %dma_wait3A_153 = arith.constant 0 : i32
      %dma_wait3A_154 = tpu.memref_slice %arg3[%mul3A_2, %dma_wait3A_153] : memref<4096x4096xf32, #tpu.memory_space<hbm>> -> memref<2x4096xf32, #tpu.memory_space<hbm>>
      %dma_wait3A_155 = arith.constant 0 : i32
      %dma_wait3A_156 = tpu.memref_slice %arg3[%mul3A_2, %dma_wait3A_155] : memref<4096x4096xf32, #tpu.memory_space<hbm>> -> memref<2x4096xf32, #tpu.memory_space<hbm>>
      tpu.wait_dma2 semaphore(%arg19 : memref<!tpu.dma_semaphore, #tpu.memory_space<semaphore_mem>>) src(%dma_wait3A_156 : memref<2x4096xf32, #tpu.memory_space<hbm>>) dst(%arg11 : memref<2x4096xf32, #tpu.memory_space<vmem>>)
      %ge3A_157 = arith.constant 4 : i32
      %ge3A_158 = arith.cmpi sge, %add3A_148, %ge3A_157 : i32
      %convert_element_type3A_159 = arith.extui %ge3A_158 : i1 to i32
      %cond3A_160 = arith.constant 0 : i32
      %cond3A_161 = arith.cmpi ne, %convert_element_type3A_159, %cond3A_160 : i32
      scf.if %cond3A_161 {
        %dma_wait3A_231 = arith.constant 0 : i32
        %dma_wait3A_232 = tpu.memref_slice %arg4[%mul3A_2, %dma_wait3A_231] : memref<4096x4096xf32, #tpu.memory_space<hbm>> -> memref<2x4096xf32, #tpu.memory_space<hbm>>
        %dma_wait3A_233 = arith.constant 0 : i32
        %dma_wait3A_234 = tpu.memref_slice %arg4[%mul3A_2, %dma_wait3A_233] : memref<4096x4096xf32, #tpu.memory_space<hbm>> -> memref<2x4096xf32, #tpu.memory_space<hbm>>
        tpu.wait_dma2 semaphore(%arg23 : memref<!tpu.dma_semaphore, #tpu.memory_space<semaphore_mem>>) src(%arg15 : memref<2x4096xf32, #tpu.memory_space<vmem>>) dst(%dma_wait3A_234 : memref<2x4096xf32, #tpu.memory_space<hbm>>)
      } else {
      }
      %scan3A_162 = arith.constant 0 : i32
      %scan3A_163 = arith.constant 0 : i32
      %scan3A_164 = arith.constant 32 : i32
      %scan3A_165 = arith.addi %scan3A_163, %scan3A_164 : i32
      %scan3A_166 = arith.constant 1 : i32
      scf.for %scan3A_231 = %scan3A_163 to %scan3A_165 step %scan3A_166  : i32 {
        %mul3A_232 = arith.constant 128 : i32
        %mul3A_233 = arith.muli %scan3A_231, %mul3A_232 : i32
        %add3A_234 = arith.constant 0 : i32
        %add3A_235 = arith.addi %mul3A_233, %add3A_234 : i32
        %get3A = arith.constant 0 : i32
        %get3A_236 = arith.index_cast %get3A : i32 to index
        %get3A_237 = arith.index_cast %add3A_235 : i32 to index
        %get3A_238 = tpu.vector_load %arg7[%get3A_236, %get3A_237] {strides = array<i32>} : memref<2x4096xf32, #tpu.memory_space<vmem>>, vector<1x16xf32>,
        %get3A_239 = vector.shape_cast %get3A_238 : vector<1x16xf32> to vector<16xf32>
        %get3A_240 = arith.constant 0 : i32
        %get3A_241 = arith.index_cast %get3A_240 : i32 to index
        %get3A_242 = arith.index_cast %add3A_235 : i32 to index
        %get3A_243 = tpu.vector_load %arg11[%get3A_241, %get3A_242] {strides = array<i32>} : memref<2x4096xf32, #tpu.memory_space<vmem>>, vector<1x16xf32>,
        %get3A_244 = vector.shape_cast %get3A_243 : vector<1x16xf32> to vector<16xf32>
        %add3A_245 = arith.addf %get3A_239, %get3A_244 : vector<16xf32>
        %swap3A = arith.constant 0 : i32
        %swap3A_246 = arith.index_cast %swap3A : i32 to index
        %swap3A_247 = arith.index_cast %add3A_235 : i32 to index
        %swap3A_248 = tpu.vector_load %arg15[%swap3A_246, %swap3A_247] {strides = array<i32>} : memref<2x4096xf32, #tpu.memory_space<vmem>>, vector<1x16xf32>,
        %swap3A_249 = vector.shape_cast %swap3A_248 : vector<1x16xf32> to vector<16xf32>
        %swap3A_250 = vector.shape_cast %add3A_245 : vector<16xf32> to vector<1x16xf32>
        tpu.vector_store %arg15[%swap3A_246, %swap3A_247], %swap3A_250 {strides = array<i32>} : memref<2x4096xf32, #tpu.memory_space<vmem>>, vector<1x16xf32>,
        %add3A_251 = arith.constant 16 : i32
        %add3A_252 = arith.addi %mul3A_233, %add3A_251 : i32
        %get3A_253 = arith.constant 0 : i32
        %get3A_254 = arith.index_cast %get3A_253 : i32 to index
        %get3A_255 = arith.index_cast %add3A_252 : i32 to index
        %get3A_256 = tpu.vector_load %arg7[%get3A_254, %get3A_255] {strides = array<i32>} : memref<2x4096xf32, #tpu.memory_space<vmem>>, vector<1x16xf32>,
        %get3A_257 = vector.shape_cast %get3A_256 : vector<1x16xf32> to vector<16xf32>
        %get3A_258 = arith.constant 0 : i32
        %get3A_259 = arith.index_cast %get3A_258 : i32 to index
        %get3A_260 = arith.index_cast %add3A_252 : i32 to index
        %get3A_261 = tpu.vector_load %arg11[%get3A_259, %get3A_260] {strides = array<i32>} : memref<2x4096xf32, #tpu.memory_space<vmem>>, vector<1x16xf32>,
        %get3A_262 = vector.shape_cast %get3A_261 : vector<1x16xf32> to vector<16xf32>
        %add3A_263 = arith.addf %get3A_257, %get3A_262 : vector<16xf32>
        %swap3A_264 = arith.constant 0 : i32
        %swap3A_265 = arith.index_cast %swap3A_264 : i32 to index
        %swap3A_266 = arith.index_cast %add3A_252 : i32 to index
        %swap3A_267 = tpu.vector_load %arg15[%swap3A_265, %swap3A_266] {strides = array<i32>} : memref<2x4096xf32, #tpu.memory_space<vmem>>, vector<1x16xf32>,
        %swap3A_268 = vector.shape_cast %swap3A_267 : vector<1x16xf32> to vector<16xf32>
        %swap3A_269 = vector.shape_cast %add3A_263 : vector<16xf32> to vector<1x16xf32>
        tpu.vector_store %arg15[%swap3A_265, %swap3A_266], %swap3A_269 {strides = array<i32>} : memref<2x4096xf32, #tpu.memory_space<vmem>>, vector<1x16xf32>,
        %add3A_270 = arith.constant 32 : i32
        %add3A_271 = arith.addi %mul3A_233, %add3A_270 : i32
        %get3A_272 = arith.constant 0 : i32
        %get3A_273 = arith.index_cast %get3A_272 : i32 to index
        %get3A_274 = arith.index_cast %add3A_271 : i32 to index
        %get3A_275 = tpu.vector_load %arg7[%get3A_273, %get3A_274] {strides = array<i32>} : memref<2x4096xf32, #tpu.memory_space<vmem>>, vector<1x16xf32>,
        %get3A_276 = vector.shape_cast %get3A_275 : vector<1x16xf32> to vector<16xf32>
        %get3A_277 = arith.constant 0 : i32
        %get3A_278 = arith.index_cast %get3A_277 : i32 to index
        %get3A_279 = arith.index_cast %add3A_271 : i32 to index
        %get3A_280 = tpu.vector_load %arg11[%get3A_278, %get3A_279] {strides = array<i32>} : memref<2x4096xf32, #tpu.memory_space<vmem>>, vector<1x16xf32>,
        %get3A_281 = vector.shape_cast %get3A_280 : vector<1x16xf32> to vector<16xf32>
        %add3A_282 = arith.addf %get3A_276, %get3A_281 : vector<16xf32>
        %swap3A_283 = arith.constant 0 : i32
        %swap3A_284 = arith.index_cast %swap3A_283 : i32 to index
        %swap3A_285 = arith.index_cast %add3A_271 : i32 to index
        %swap3A_286 = tpu.vector_load %arg15[%swap3A_284, %swap3A_285] {strides = array<i32>} : memref<2x4096xf32, #tpu.memory_space<vmem>>, vector<1x16xf32>,
        %swap3A_287 = vector.shape_cast %swap3A_286 : vector<1x16xf32> to vector<16xf32>
        %swap3A_288 = vector.shape_cast %add3A_282 : vector<16xf32> to vector<1x16xf32>
        tpu.vector_store %arg15[%swap3A_284, %swap3A_285], %swap3A_288 {strides = array<i32>} : memref<2x4096xf32, #tpu.memory_space<vmem>>, vector<1x16xf32>,
        %add3A_289 = arith.constant 48 : i32
        %add3A_290 = arith.addi %mul3A_233, %add3A_289 : i32
        %get3A_291 = arith.constant 0 : i32
        %get3A_292 = arith.index_cast %get3A_291 : i32 to index
        %get3A_293 = arith.index_cast %add3A_290 : i32 to index
        %get3A_294 = tpu.vector_load %arg7[%get3A_292, %get3A_293] {strides = array<i32>} : memref<2x4096xf32, #tpu.memory_space<vmem>>, vector<1x16xf32>,
        %get3A_295 = vector.shape_cast %get3A_294 : vector<1x16xf32> to vector<16xf32>
        %get3A_296 = arith.constant 0 : i32
        %get3A_297 = arith.index_cast %get3A_296 : i32 to index
        %get3A_298 = arith.index_cast %add3A_290 : i32 to index
        %get3A_299 = tpu.vector_load %arg11[%get3A_297, %get3A_298] {strides = array<i32>} : memref<2x4096xf32, #tpu.memory_space<vmem>>, vector<1x16xf32>,
        %get3A_300 = vector.shape_cast %get3A_299 : vector<1x16xf32> to vector<16xf32>
        %add3A_301 = arith.addf %get3A_295, %get3A_300 : vector<16xf32>
        %swap3A_302 = arith.constant 0 : i32
        %swap3A_303 = arith.index_cast %swap3A_302 : i32 to index
        %swap3A_304 = arith.index_cast %add3A_290 : i32 to index
        %swap3A_305 = tpu.vector_load %arg15[%swap3A_303, %swap3A_304] {strides = array<i32>} : memref<2x4096xf32, #tpu.memory_space<vmem>>, vector<1x16xf32>,
        %swap3A_306 = vector.shape_cast %swap3A_305 : vector<1x16xf32> to vector<16xf32>
        %swap3A_307 = vector.shape_cast %add3A_301 : vector<16xf32> to vector<1x16xf32>
        tpu.vector_store %arg15[%swap3A_303, %swap3A_304], %swap3A_307 {strides = array<i32>} : memref<2x4096xf32, #tpu.memory_space<vmem>>, vector<1x16xf32>,
        %add3A_308 = arith.constant 64 : i32
        %add3A_309 = arith.addi %mul3A_233, %add3A_308 : i32
        %get3A_310 = arith.constant 0 : i32
        %get3A_311 = arith.index_cast %get3A_310 : i32 to index
        %get3A_312 = arith.index_cast %add3A_309 : i32 to index
        %get3A_313 = tpu.vector_load %arg7[%get3A_311, %get3A_312] {strides = array<i32>} : memref<2x4096xf32, #tpu.memory_space<vmem>>, vector<1x16xf32>,
        %get3A_314 = vector.shape_cast %get3A_313 : vector<1x16xf32> to vector<16xf32>
        %get3A_315 = arith.constant 0 : i32
        %get3A_316 = arith.index_cast %get3A_315 : i32 to index
        %get3A_317 = arith.index_cast %add3A_309 : i32 to index
        %get3A_318 = tpu.vector_load %arg11[%get3A_316, %get3A_317] {strides = array<i32>} : memref<2x4096xf32, #tpu.memory_space<vmem>>, vector<1x16xf32>,
        %get3A_319 = vector.shape_cast %get3A_318 : vector<1x16xf32> to vector<16xf32>
        %add3A_320 = arith.addf %get3A_314, %get3A_319 : vector<16xf32>
        %swap3A_321 = arith.constant 0 : i32
        %swap3A_322 = arith.index_cast %swap3A_321 : i32 to index
        %swap3A_323 = arith.index_cast %add3A_309 : i32 to index
        %swap3A_324 = tpu.vector_load %arg15[%swap3A_322, %swap3A_323] {strides = array<i32>} : memref<2x4096xf32, #tpu.memory_space<vmem>>, vector<1x16xf32>,
        %swap3A_325 = vector.shape_cast %swap3A_324 : vector<1x16xf32> to vector<16xf32>
        %swap3A_326 = vector.shape_cast %add3A_320 : vector<16xf32> to vector<1x16xf32>
        tpu.vector_store %arg15[%swap3A_322, %swap3A_323], %swap3A_326 {strides = array<i32>} : memref<2x4096xf32, #tpu.memory_space<vmem>>, vector<1x16xf32>,
        %add3A_327 = arith.constant 80 : i32
        %add3A_328 = arith.addi %mul3A_233, %add3A_327 : i32
        %get3A_329 = arith.constant 0 : i32
        %get3A_330 = arith.index_cast %get3A_329 : i32 to index
        %get3A_331 = arith.index_cast %add3A_328 : i32 to index
        %get3A_332 = tpu.vector_load %arg7[%get3A_330, %get3A_331] {strides = array<i32>} : memref<2x4096xf32, #tpu.memory_space<vmem>>, vector<1x16xf32>,
        %get3A_333 = vector.shape_cast %get3A_332 : vector<1x16xf32> to vector<16xf32>
        %get3A_334 = arith.constant 0 : i32
        %get3A_335 = arith.index_cast %get3A_334 : i32 to index
        %get3A_336 = arith.index_cast %add3A_328 : i32 to index
        %get3A_337 = tpu.vector_load %arg11[%get3A_335, %get3A_336] {strides = array<i32>} : memref<2x4096xf32, #tpu.memory_space<vmem>>, vector<1x16xf32>,
        %get3A_338 = vector.shape_cast %get3A_337 : vector<1x16xf32> to vector<16xf32>
        %add3A_339 = arith.addf %get3A_333, %get3A_338 : vector<16xf32>
        %swap3A_340 = arith.constant 0 : i32
        %swap3A_341 = arith.index_cast %swap3A_340 : i32 to index
        %swap3A_342 = arith.index_cast %add3A_328 : i32 to index
        %swap3A_343 = tpu.vector_load %arg15[%swap3A_341, %swap3A_342] {strides = array<i32>} : memref<2x4096xf32, #tpu.memory_space<vmem>>, vector<1x16xf32>,
        %swap3A_344 = vector.shape_cast %swap3A_343 : vector<1x16xf32> to vector<16xf32>
        %swap3A_345 = vector.shape_cast %add3A_339 : vector<16xf32> to vector<1x16xf32>
        tpu.vector_store %arg15[%swap3A_341, %swap3A_342], %swap3A_345 {strides = array<i32>} : memref<2x4096xf32, #tpu.memory_space<vmem>>, vector<1x16xf32>,
        %add3A_346 = arith.constant 96 : i32
        %add3A_347 = arith.addi %mul3A_233, %add3A_346 : i32
        %get3A_348 = arith.constant 0 : i32
        %get3A_349 = arith.index_cast %get3A_348 : i32 to index
        %get3A_350 = arith.index_cast %add3A_347 : i32 to index
        %get3A_351 = tpu.vector_load %arg7[%get3A_349, %get3A_350] {strides = array<i32>} : memref<2x4096xf32, #tpu.memory_space<vmem>>, vector<1x16xf32>,
        %get3A_352 = vector.shape_cast %get3A_351 : vector<1x16xf32> to vector<16xf32>
        %get3A_353 = arith.constant 0 : i32
        %get3A_354 = arith.index_cast %get3A_353 : i32 to index
        %get3A_355 = arith.index_cast %add3A_347 : i32 to index
        %get3A_356 = tpu.vector_load %arg11[%get3A_354, %get3A_355] {strides = array<i32>} : memref<2x4096xf32, #tpu.memory_space<vmem>>, vector<1x16xf32>,
        %get3A_357 = vector.shape_cast %get3A_356 : vector<1x16xf32> to vector<16xf32>
        %add3A_358 = arith.addf %get3A_352, %get3A_357 : vector<16xf32>
        %swap3A_359 = arith.constant 0 : i32
        %swap3A_360 = arith.index_cast %swap3A_359 : i32 to index
        %swap3A_361 = arith.index_cast %add3A_347 : i32 to index
        %swap3A_362 = tpu.vector_load %arg15[%swap3A_360, %swap3A_361] {strides = array<i32>} : memref<2x4096xf32, #tpu.memory_space<vmem>>, vector<1x16xf32>,
        %swap3A_363 = vector.shape_cast %swap3A_362 : vector<1x16xf32> to vector<16xf32>
        %swap3A_364 = vector.shape_cast %add3A_358 : vector<16xf32> to vector<1x16xf32>
        tpu.vector_store %arg15[%swap3A_360, %swap3A_361], %swap3A_364 {strides = array<i32>} : memref<2x4096xf32, #tpu.memory_space<vmem>>, vector<1x16xf32>,
        %add3A_365 = arith.constant 112 : i32
        %add3A_366 = arith.addi %mul3A_233, %add3A_365 : i32
        %get3A_367 = arith.constant 0 : i32
        %get3A_368 = arith.index_cast %get3A_367 : i32 to index
        %get3A_369 = arith.index_cast %add3A_366 : i32 to index
        %get3A_370 = tpu.vector_load %arg7[%get3A_368, %get3A_369] {strides = array<i32>} : memref<2x4096xf32, #tpu.memory_space<vmem>>, vector<1x16xf32>,
        %get3A_371 = vector.shape_cast %get3A_370 : vector<1x16xf32> to vector<16xf32>
        %get3A_372 = arith.constant 0 : i32
        %get3A_373 = arith.index_cast %get3A_372 : i32 to index
        %get3A_374 = arith.index_cast %add3A_366 : i32 to index
        %get3A_375 = tpu.vector_load %arg11[%get3A_373, %get3A_374] {strides = array<i32>} : memref<2x4096xf32, #tpu.memory_space<vmem>>, vector<1x16xf32>,
        %get3A_376 = vector.shape_cast %get3A_375 : vector<1x16xf32> to vector<16xf32>
        %add3A_377 = arith.addf %get3A_371, %get3A_376 : vector<16xf32>
        %swap3A_378 = arith.constant 0 : i32
        %swap3A_379 = arith.index_cast %swap3A_378 : i32 to index
        %swap3A_380 = arith.index_cast %add3A_366 : i32 to index
        %swap3A_381 = tpu.vector_load %arg15[%swap3A_379, %swap3A_380] {strides = array<i32>} : memref<2x4096xf32, #tpu.memory_space<vmem>>, vector<1x16xf32>,
        %swap3A_382 = vector.shape_cast %swap3A_381 : vector<1x16xf32> to vector<16xf32>
        %swap3A_383 = vector.shape_cast %add3A_377 : vector<16xf32> to vector<1x16xf32>
        tpu.vector_store %arg15[%swap3A_379, %swap3A_380], %swap3A_383 {strides = array<i32>} : memref<2x4096xf32, #tpu.memory_space<vmem>>, vector<1x16xf32>,
      }
      %scan3A_167 = arith.constant 32 : i32
      %scan3A_168 = arith.constant 0 : i32
      %scan3A_169 = arith.constant 0 : i32
      %scan3A_170 = arith.constant 32 : i32
      %scan3A_171 = arith.addi %scan3A_169, %scan3A_170 : i32
      %scan3A_172 = arith.constant 1 : i32
      scf.for %scan3A_231 = %scan3A_169 to %scan3A_171 step %scan3A_172  : i32 {
        %mul3A_232 = arith.constant 128 : i32
        %mul3A_233 = arith.muli %scan3A_231, %mul3A_232 : i32
        %add3A_234 = arith.constant 0 : i32
        %add3A_235 = arith.addi %mul3A_233, %add3A_234 : i32
        %get3A = arith.constant 1 : i32
        %get3A_236 = arith.index_cast %get3A : i32 to index
        %get3A_237 = arith.index_cast %add3A_235 : i32 to index
        %get3A_238 = tpu.vector_load %arg7[%get3A_236, %get3A_237] {strides = array<i32>} : memref<2x4096xf32, #tpu.memory_space<vmem>>, vector<1x16xf32>,
        %get3A_239 = vector.shape_cast %get3A_238 : vector<1x16xf32> to vector<16xf32>
        %get3A_240 = arith.constant 1 : i32
        %get3A_241 = arith.index_cast %get3A_240 : i32 to index
        %get3A_242 = arith.index_cast %add3A_235 : i32 to index
        %get3A_243 = tpu.vector_load %arg11[%get3A_241, %get3A_242] {strides = array<i32>} : memref<2x4096xf32, #tpu.memory_space<vmem>>, vector<1x16xf32>,
        %get3A_244 = vector.shape_cast %get3A_243 : vector<1x16xf32> to vector<16xf32>
        %add3A_245 = arith.addf %get3A_239, %get3A_244 : vector<16xf32>
        %swap3A = arith.constant 1 : i32
        %swap3A_246 = arith.index_cast %swap3A : i32 to index
        %swap3A_247 = arith.index_cast %add3A_235 : i32 to index
        %swap3A_248 = tpu.vector_load %arg15[%swap3A_246, %swap3A_247] {strides = array<i32>} : memref<2x4096xf32, #tpu.memory_space<vmem>>, vector<1x16xf32>,
        %swap3A_249 = vector.shape_cast %swap3A_248 : vector<1x16xf32> to vector<16xf32>
        %swap3A_250 = vector.shape_cast %add3A_245 : vector<16xf32> to vector<1x16xf32>
        tpu.vector_store %arg15[%swap3A_246, %swap3A_247], %swap3A_250 {strides = array<i32>} : memref<2x4096xf32, #tpu.memory_space<vmem>>, vector<1x16xf32>,
        %add3A_251 = arith.constant 16 : i32
        %add3A_252 = arith.addi %mul3A_233, %add3A_251 : i32
        %get3A_253 = arith.constant 1 : i32
        %get3A_254 = arith.index_cast %get3A_253 : i32 to index
        %get3A_255 = arith.index_cast %add3A_252 : i32 to index
        %get3A_256 = tpu.vector_load %arg7[%get3A_254, %get3A_255] {strides = array<i32>} : memref<2x4096xf32, #tpu.memory_space<vmem>>, vector<1x16xf32>,
        %get3A_257 = vector.shape_cast %get3A_256 : vector<1x16xf32> to vector<16xf32>
        %get3A_258 = arith.constant 1 : i32
        %get3A_259 = arith.index_cast %get3A_258 : i32 to index
        %get3A_260 = arith.index_cast %add3A_252 : i32 to index
        %get3A_261 = tpu.vector_load %arg11[%get3A_259, %get3A_260] {strides = array<i32>} : memref<2x4096xf32, #tpu.memory_space<vmem>>, vector<1x16xf32>,
        %get3A_262 = vector.shape_cast %get3A_261 : vector<1x16xf32> to vector<16xf32>
        %add3A_263 = arith.addf %get3A_257, %get3A_262 : vector<16xf32>
        %swap3A_264 = arith.constant 1 : i32
        %swap3A_265 = arith.index_cast %swap3A_264 : i32 to index
        %swap3A_266 = arith.index_cast %add3A_252 : i32 to index
        %swap3A_267 = tpu.vector_load %arg15[%swap3A_265, %swap3A_266] {strides = array<i32>} : memref<2x4096xf32, #tpu.memory_space<vmem>>, vector<1x16xf32>,
        %swap3A_268 = vector.shape_cast %swap3A_267 : vector<1x16xf32> to vector<16xf32>
        %swap3A_269 = vector.shape_cast %add3A_263 : vector<16xf32> to vector<1x16xf32>
        tpu.vector_store %arg15[%swap3A_265, %swap3A_266], %swap3A_269 {strides = array<i32>} : memref<2x4096xf32, #tpu.memory_space<vmem>>, vector<1x16xf32>,
        %add3A_270 = arith.constant 32 : i32
        %add3A_271 = arith.addi %mul3A_233, %add3A_270 : i32
        %get3A_272 = arith.constant 1 : i32
        %get3A_273 = arith.index_cast %get3A_272 : i32 to index
        %get3A_274 = arith.index_cast %add3A_271 : i32 to index
        %get3A_275 = tpu.vector_load %arg7[%get3A_273, %get3A_274] {strides = array<i32>} : memref<2x4096xf32, #tpu.memory_space<vmem>>, vector<1x16xf32>,
        %get3A_276 = vector.shape_cast %get3A_275 : vector<1x16xf32> to vector<16xf32>
        %get3A_277 = arith.constant 1 : i32
        %get3A_278 = arith.index_cast %get3A_277 : i32 to index
        %get3A_279 = arith.index_cast %add3A_271 : i32 to index
        %get3A_280 = tpu.vector_load %arg11[%get3A_278, %get3A_279] {strides = array<i32>} : memref<2x4096xf32, #tpu.memory_space<vmem>>, vector<1x16xf32>,
        %get3A_281 = vector.shape_cast %get3A_280 : vector<1x16xf32> to vector<16xf32>
        %add3A_282 = arith.addf %get3A_276, %get3A_281 : vector<16xf32>
        %swap3A_283 = arith.constant 1 : i32
        %swap3A_284 = arith.index_cast %swap3A_283 : i32 to index
        %swap3A_285 = arith.index_cast %add3A_271 : i32 to index
        %swap3A_286 = tpu.vector_load %arg15[%swap3A_284, %swap3A_285] {strides = array<i32>} : memref<2x4096xf32, #tpu.memory_space<vmem>>, vector<1x16xf32>,
        %swap3A_287 = vector.shape_cast %swap3A_286 : vector<1x16xf32> to vector<16xf32>
        %swap3A_288 = vector.shape_cast %add3A_282 : vector<16xf32> to vector<1x16xf32>
        tpu.vector_store %arg15[%swap3A_284, %swap3A_285], %swap3A_288 {strides = array<i32>} : memref<2x4096xf32, #tpu.memory_space<vmem>>, vector<1x16xf32>,
        %add3A_289 = arith.constant 48 : i32
        %add3A_290 = arith.addi %mul3A_233, %add3A_289 : i32
        %get3A_291 = arith.constant 1 : i32
        %get3A_292 = arith.index_cast %get3A_291 : i32 to index
        %get3A_293 = arith.index_cast %add3A_290 : i32 to index
        %get3A_294 = tpu.vector_load %arg7[%get3A_292, %get3A_293] {strides = array<i32>} : memref<2x4096xf32, #tpu.memory_space<vmem>>, vector<1x16xf32>,
        %get3A_295 = vector.shape_cast %get3A_294 : vector<1x16xf32> to vector<16xf32>
        %get3A_296 = arith.constant 1 : i32
        %get3A_297 = arith.index_cast %get3A_296 : i32 to index
        %get3A_298 = arith.index_cast %add3A_290 : i32 to index
        %get3A_299 = tpu.vector_load %arg11[%get3A_297, %get3A_298] {strides = array<i32>} : memref<2x4096xf32, #tpu.memory_space<vmem>>, vector<1x16xf32>,
        %get3A_300 = vector.shape_cast %get3A_299 : vector<1x16xf32> to vector<16xf32>
        %add3A_301 = arith.addf %get3A_295, %get3A_300 : vector<16xf32>
        %swap3A_302 = arith.constant 1 : i32
        %swap3A_303 = arith.index_cast %swap3A_302 : i32 to index
        %swap3A_304 = arith.index_cast %add3A_290 : i32 to index
        %swap3A_305 = tpu.vector_load %arg15[%swap3A_303, %swap3A_304] {strides = array<i32>} : memref<2x4096xf32, #tpu.memory_space<vmem>>, vector<1x16xf32>,
        %swap3A_306 = vector.shape_cast %swap3A_305 : vector<1x16xf32> to vector<16xf32>
        %swap3A_307 = vector.shape_cast %add3A_301 : vector<16xf32> to vector<1x16xf32>
        tpu.vector_store %arg15[%swap3A_303, %swap3A_304], %swap3A_307 {strides = array<i32>} : memref<2x4096xf32, #tpu.memory_space<vmem>>, vector<1x16xf32>,
        %add3A_308 = arith.constant 64 : i32
        %add3A_309 = arith.addi %mul3A_233, %add3A_308 : i32
        %get3A_310 = arith.constant 1 : i32
        %get3A_311 = arith.index_cast %get3A_310 : i32 to index
        %get3A_312 = arith.index_cast %add3A_309 : i32 to index
        %get3A_313 = tpu.vector_load %arg7[%get3A_311, %get3A_312] {strides = array<i32>} : memref<2x4096xf32, #tpu.memory_space<vmem>>, vector<1x16xf32>,
        %get3A_314 = vector.shape_cast %get3A_313 : vector<1x16xf32> to vector<16xf32>
        %get3A_315 = arith.constant 1 : i32
        %get3A_316 = arith.index_cast %get3A_315 : i32 to index
        %get3A_317 = arith.index_cast %add3A_309 : i32 to index
        %get3A_318 = tpu.vector_load %arg11[%get3A_316, %get3A_317] {strides = array<i32>} : memref<2x4096xf32, #tpu.memory_space<vmem>>, vector<1x16xf32>,
        %get3A_319 = vector.shape_cast %get3A_318 : vector<1x16xf32> to vector<16xf32>
        %add3A_320 = arith.addf %get3A_314, %get3A_319 : vector<16xf32>
        %swap3A_321 = arith.constant 1 : i32
        %swap3A_322 = arith.index_cast %swap3A_321 : i32 to index
        %swap3A_323 = arith.index_cast %add3A_309 : i32 to index
        %swap3A_324 = tpu.vector_load %arg15[%swap3A_322, %swap3A_323] {strides = array<i32>} : memref<2x4096xf32, #tpu.memory_space<vmem>>, vector<1x16xf32>,
        %swap3A_325 = vector.shape_cast %swap3A_324 : vector<1x16xf32> to vector<16xf32>
        %swap3A_326 = vector.shape_cast %add3A_320 : vector<16xf32> to vector<1x16xf32>
        tpu.vector_store %arg15[%swap3A_322, %swap3A_323], %swap3A_326 {strides = array<i32>} : memref<2x4096xf32, #tpu.memory_space<vmem>>, vector<1x16xf32>,
        %add3A_327 = arith.constant 80 : i32
        %add3A_328 = arith.addi %mul3A_233, %add3A_327 : i32
        %get3A_329 = arith.constant 1 : i32
        %get3A_330 = arith.index_cast %get3A_329 : i32 to index
        %get3A_331 = arith.index_cast %add3A_328 : i32 to index
        %get3A_332 = tpu.vector_load %arg7[%get3A_330, %get3A_331] {strides = array<i32>} : memref<2x4096xf32, #tpu.memory_space<vmem>>, vector<1x16xf32>,
        %get3A_333 = vector.shape_cast %get3A_332 : vector<1x16xf32> to vector<16xf32>
        %get3A_334 = arith.constant 1 : i32
        %get3A_335 = arith.index_cast %get3A_334 : i32 to index
        %get3A_336 = arith.index_cast %add3A_328 : i32 to index
        %get3A_337 = tpu.vector_load %arg11[%get3A_335, %get3A_336] {strides = array<i32>} : memref<2x4096xf32, #tpu.memory_space<vmem>>, vector<1x16xf32>,
        %get3A_338 = vector.shape_cast %get3A_337 : vector<1x16xf32> to vector<16xf32>
        %add3A_339 = arith.addf %get3A_333, %get3A_338 : vector<16xf32>
        %swap3A_340 = arith.constant 1 : i32
        %swap3A_341 = arith.index_cast %swap3A_340 : i32 to index
        %swap3A_342 = arith.index_cast %add3A_328 : i32 to index
        %swap3A_343 = tpu.vector_load %arg15[%swap3A_341, %swap3A_342] {strides = array<i32>} : memref<2x4096xf32, #tpu.memory_space<vmem>>, vector<1x16xf32>,
        %swap3A_344 = vector.shape_cast %swap3A_343 : vector<1x16xf32> to vector<16xf32>
        %swap3A_345 = vector.shape_cast %add3A_339 : vector<16xf32> to vector<1x16xf32>
        tpu.vector_store %arg15[%swap3A_341, %swap3A_342], %swap3A_345 {strides = array<i32>} : memref<2x4096xf32, #tpu.memory_space<vmem>>, vector<1x16xf32>,
        %add3A_346 = arith.constant 96 : i32
        %add3A_347 = arith.addi %mul3A_233, %add3A_346 : i32
        %get3A_348 = arith.constant 1 : i32
        %get3A_349 = arith.index_cast %get3A_348 : i32 to index
        %get3A_350 = arith.index_cast %add3A_347 : i32 to index
        %get3A_351 = tpu.vector_load %arg7[%get3A_349, %get3A_350] {strides = array<i32>} : memref<2x4096xf32, #tpu.memory_space<vmem>>, vector<1x16xf32>,
        %get3A_352 = vector.shape_cast %get3A_351 : vector<1x16xf32> to vector<16xf32>
        %get3A_353 = arith.constant 1 : i32
        %get3A_354 = arith.index_cast %get3A_353 : i32 to index
        %get3A_355 = arith.index_cast %add3A_347 : i32 to index
        %get3A_356 = tpu.vector_load %arg11[%get3A_354, %get3A_355] {strides = array<i32>} : memref<2x4096xf32, #tpu.memory_space<vmem>>, vector<1x16xf32>,
        %get3A_357 = vector.shape_cast %get3A_356 : vector<1x16xf32> to vector<16xf32>
        %add3A_358 = arith.addf %get3A_352, %get3A_357 : vector<16xf32>
        %swap3A_359 = arith.constant 1 : i32
        %swap3A_360 = arith.index_cast %swap3A_359 : i32 to index
        %swap3A_361 = arith.index_cast %add3A_347 : i32 to index
        %swap3A_362 = tpu.vector_load %arg15[%swap3A_360, %swap3A_361] {strides = array<i32>} : memref<2x4096xf32, #tpu.memory_space<vmem>>, vector<1x16xf32>,
        %swap3A_363 = vector.shape_cast %swap3A_362 : vector<1x16xf32> to vector<16xf32>
        %swap3A_364 = vector.shape_cast %add3A_358 : vector<16xf32> to vector<1x16xf32>
        tpu.vector_store %arg15[%swap3A_360, %swap3A_361], %swap3A_364 {strides = array<i32>} : memref<2x4096xf32, #tpu.memory_space<vmem>>, vector<1x16xf32>,
        %add3A_365 = arith.constant 112 : i32
        %add3A_366 = arith.addi %mul3A_233, %add3A_365 : i32
        %get3A_367 = arith.constant 1 : i32
        %get3A_368 = arith.index_cast %get3A_367 : i32 to index
        %get3A_369 = arith.index_cast %add3A_366 : i32 to index
        %get3A_370 = tpu.vector_load %arg7[%get3A_368, %get3A_369] {strides = array<i32>} : memref<2x4096xf32, #tpu.memory_space<vmem>>, vector<1x16xf32>,
        %get3A_371 = vector.shape_cast %get3A_370 : vector<1x16xf32> to vector<16xf32>
        %get3A_372 = arith.constant 1 : i32
        %get3A_373 = arith.index_cast %get3A_372 : i32 to index
        %get3A_374 = arith.index_cast %add3A_366 : i32 to index
        %get3A_375 = tpu.vector_load %arg11[%get3A_373, %get3A_374] {strides = array<i32>} : memref<2x4096xf32, #tpu.memory_space<vmem>>, vector<1x16xf32>,
        %get3A_376 = vector.shape_cast %get3A_375 : vector<1x16xf32> to vector<16xf32>
        %add3A_377 = arith.addf %get3A_371, %get3A_376 : vector<16xf32>
        %swap3A_378 = arith.constant 1 : i32
        %swap3A_379 = arith.index_cast %swap3A_378 : i32 to index
        %swap3A_380 = arith.index_cast %add3A_366 : i32 to index
        %swap3A_381 = tpu.vector_load %arg15[%swap3A_379, %swap3A_380] {strides = array<i32>} : memref<2x4096xf32, #tpu.memory_space<vmem>>, vector<1x16xf32>,
        %swap3A_382 = vector.shape_cast %swap3A_381 : vector<1x16xf32> to vector<16xf32>
        %swap3A_383 = vector.shape_cast %add3A_377 : vector<16xf32> to vector<1x16xf32>
        tpu.vector_store %arg15[%swap3A_379, %swap3A_380], %swap3A_383 {strides = array<i32>} : memref<2x4096xf32, #tpu.memory_space<vmem>>, vector<1x16xf32>,
      }
      %scan3A_173 = arith.constant 32 : i32
      %mul3A_174 = arith.constant 2 : i32
      %mul3A_175 = arith.muli %add3A_148, %mul3A_174 : i32
      %add3A_176 = arith.addi %mul3A_2, %mul3A_175 : i32
      %dma_start3A_177 = arith.constant 0 : i32
      %dma_start3A_178 = tpu.memref_slice %arg4[%add3A_176, %dma_start3A_177] : memref<4096x4096xf32, #tpu.memory_space<hbm>> -> memref<2x4096xf32, #tpu.memory_space<hbm>>
      %dma_start3A_179 = arith.constant 0 : i32
      %dma_start3A_180 = tpu.memref_slice %arg4[%add3A_176, %dma_start3A_179] : memref<4096x4096xf32, #tpu.memory_space<hbm>> -> memref<2x4096xf32, #tpu.memory_space<hbm>>
      tpu.enqueue_dma source(%arg15 : memref<2x4096xf32, #tpu.memory_space<vmem>>) target(%dma_start3A_180 : memref<2x4096xf32, #tpu.memory_space<hbm>>) target_semaphore(%arg23 : memref<!tpu.dma_semaphore, #tpu.memory_space<semaphore_mem>>)
      %add3A_181 = arith.constant 4 : i32
      %add3A_182 = arith.addi %add3A_148, %add3A_181 : i32
      %lt3A_183 = arith.constant 64 : i32
      %lt3A_184 = arith.cmpi slt, %add3A_182, %lt3A_183 : i32
      %convert_element_type3A_185 = arith.extui %lt3A_184 : i1 to i32
      %cond3A_186 = arith.constant 0 : i32
      %cond3A_187 = arith.cmpi ne, %convert_element_type3A_185, %cond3A_186 : i32
      scf.if %cond3A_187 {
        %add3A_231 = arith.constant 4 : i32
        %add3A_232 = arith.addi %add3A_148, %add3A_231 : i32
        %mul3A_233 = arith.constant 2 : i32
        %mul3A_234 = arith.muli %add3A_232, %mul3A_233 : i32
        %add3A_235 = arith.addi %mul3A_2, %mul3A_234 : i32
        %dma_start3A_236 = arith.constant 0 : i32
        %dma_start3A_237 = tpu.memref_slice %arg2[%add3A_235, %dma_start3A_236] : memref<4096x4096xf32, #tpu.memory_space<hbm>> -> memref<2x4096xf32, #tpu.memory_space<hbm>>
        %dma_start3A_238 = arith.constant 0 : i32
        %dma_start3A_239 = tpu.memref_slice %arg2[%add3A_235, %dma_start3A_238] : memref<4096x4096xf32, #tpu.memory_space<hbm>> -> memref<2x4096xf32, #tpu.memory_space<hbm>>
        tpu.enqueue_dma source(%dma_start3A_239 : memref<2x4096xf32, #tpu.memory_space<hbm>>) target(%arg7 : memref<2x4096xf32, #tpu.memory_space<vmem>>) target_semaphore(%arg19 : memref<!tpu.dma_semaphore, #tpu.memory_space<semaphore_mem>>)
        %dma_start3A_240 = arith.constant 0 : i32
        %dma_start3A_241 = tpu.memref_slice %arg3[%add3A_235, %dma_start3A_240] : memref<4096x4096xf32, #tpu.memory_space<hbm>> -> memref<2x4096xf32, #tpu.memory_space<hbm>>
        %dma_start3A_242 = arith.constant 0 : i32
        %dma_start3A_243 = tpu.memref_slice %arg3[%add3A_235, %dma_start3A_242] : memref<4096x4096xf32, #tpu.memory_space<hbm>> -> memref<2x4096xf32, #tpu.memory_space<hbm>>
        tpu.enqueue_dma source(%dma_start3A_243 : memref<2x4096xf32, #tpu.memory_space<hbm>>) target(%arg11 : memref<2x4096xf32, #tpu.memory_space<vmem>>) target_semaphore(%arg19 : memref<!tpu.dma_semaphore, #tpu.memory_space<semaphore_mem>>)
      } else {
      }
      %mul3A_188 = arith.constant 4 : i32
      %mul3A_189 = arith.muli %mul3A_188, %scan3A_62 : i32
      %add3A_190 = arith.constant 3 : i32
      %add3A_191 = arith.addi %mul3A_189, %add3A_190 : i32
      %dma_wait3A_192 = arith.constant 0 : i32
      %dma_wait3A_193 = tpu.memref_slice %arg2[%mul3A_2, %dma_wait3A_192] : memref<4096x4096xf32, #tpu.memory_space<hbm>> -> memref<2x4096xf32, #tpu.memory_space<hbm>>
      %dma_wait3A_194 = arith.constant 0 : i32
      %dma_wait3A_195 = tpu.memref_slice %arg2[%mul3A_2, %dma_wait3A_194] : memref<4096x4096xf32, #tpu.memory_space<hbm>> -> memref<2x4096xf32, #tpu.memory_space<hbm>>
      tpu.wait_dma2 semaphore(%arg20 : memref<!tpu.dma_semaphore, #tpu.memory_space<semaphore_mem>>) src(%dma_wait3A_195 : memref<2x4096xf32, #tpu.memory_space<hbm>>) dst(%arg8 : memref<2x4096xf32, #tpu.memory_space<vmem>>)
      %dma_wait3A_196 = arith.constant 0 : i32
      %dma_wait3A_197 = tpu.memref_slice %arg3[%mul3A_2, %dma_wait3A_196] : memref<4096x4096xf32, #tpu.memory_space<hbm>> -> memref<2x4096xf32, #tpu.memory_space<hbm>>
      %dma_wait3A_198 = arith.constant 0 : i32
      %dma_wait3A_199 = tpu.memref_slice %arg3[%mul3A_2, %dma_wait3A_198] : memref<4096x4096xf32, #tpu.memory_space<hbm>> -> memref<2x4096xf32, #tpu.memory_space<hbm>>
      tpu.wait_dma2 semaphore(%arg20 : memref<!tpu.dma_semaphore, #tpu.memory_space<semaphore_mem>>) src(%dma_wait3A_199 : memref<2x4096xf32, #tpu.memory_space<hbm>>) dst(%arg12 : memref<2x4096xf32, #tpu.memory_space<vmem>>)
      %ge3A_200 = arith.constant 4 : i32
      %ge3A_201 = arith.cmpi sge, %add3A_191, %ge3A_200 : i32
      %convert_element_type3A_202 = arith.extui %ge3A_201 : i1 to i32
      %cond3A_203 = arith.constant 0 : i32
      %cond3A_204 = arith.cmpi ne, %convert_element_type3A_202, %cond3A_203 : i32
      scf.if %cond3A_204 {
        %dma_wait3A_231 = arith.constant 0 : i32
        %dma_wait3A_232 = tpu.memref_slice %arg4[%mul3A_2, %dma_wait3A_231] : memref<4096x4096xf32, #tpu.memory_space<hbm>> -> memref<2x4096xf32, #tpu.memory_space<hbm>>
        %dma_wait3A_233 = arith.constant 0 : i32
        %dma_wait3A_234 = tpu.memref_slice %arg4[%mul3A_2, %dma_wait3A_233] : memref<4096x4096xf32, #tpu.memory_space<hbm>> -> memref<2x4096xf32, #tpu.memory_space<hbm>>
        tpu.wait_dma2 semaphore(%arg24 : memref<!tpu.dma_semaphore, #tpu.memory_space<semaphore_mem>>) src(%arg16 : memref<2x4096xf32, #tpu.memory_space<vmem>>) dst(%dma_wait3A_234 : memref<2x4096xf32, #tpu.memory_space<hbm>>)
      } else {
      }
      %scan3A_205 = arith.constant 0 : i32
      %scan3A_206 = arith.constant 0 : i32
      %scan3A_207 = arith.constant 32 : i32
      %scan3A_208 = arith.addi %scan3A_206, %scan3A_207 : i32
      %scan3A_209 = arith.constant 1 : i32
      scf.for %scan3A_231 = %scan3A_206 to %scan3A_208 step %scan3A_209  : i32 {
        %mul3A_232 = arith.constant 128 : i32
        %mul3A_233 = arith.muli %scan3A_231, %mul3A_232 : i32
        %add3A_234 = arith.constant 0 : i32
        %add3A_235 = arith.addi %mul3A_233, %add3A_234 : i32
        %get3A = arith.constant 0 : i32
        %get3A_236 = arith.index_cast %get3A : i32 to index
        %get3A_237 = arith.index_cast %add3A_235 : i32 to index
        %get3A_238 = tpu.vector_load %arg8[%get3A_236, %get3A_237] {strides = array<i32>} : memref<2x4096xf32, #tpu.memory_space<vmem>>, vector<1x16xf32>,
        %get3A_239 = vector.shape_cast %get3A_238 : vector<1x16xf32> to vector<16xf32>
        %get3A_240 = arith.constant 0 : i32
        %get3A_241 = arith.index_cast %get3A_240 : i32 to index
        %get3A_242 = arith.index_cast %add3A_235 : i32 to index
        %get3A_243 = tpu.vector_load %arg12[%get3A_241, %get3A_242] {strides = array<i32>} : memref<2x4096xf32, #tpu.memory_space<vmem>>, vector<1x16xf32>,
        %get3A_244 = vector.shape_cast %get3A_243 : vector<1x16xf32> to vector<16xf32>
        %add3A_245 = arith.addf %get3A_239, %get3A_244 : vector<16xf32>
        %swap3A = arith.constant 0 : i32
        %swap3A_246 = arith.index_cast %swap3A : i32 to index
        %swap3A_247 = arith.index_cast %add3A_235 : i32 to index
        %swap3A_248 = tpu.vector_load %arg16[%swap3A_246, %swap3A_247] {strides = array<i32>} : memref<2x4096xf32, #tpu.memory_space<vmem>>, vector<1x16xf32>,
        %swap3A_249 = vector.shape_cast %swap3A_248 : vector<1x16xf32> to vector<16xf32>
        %swap3A_250 = vector.shape_cast %add3A_245 : vector<16xf32> to vector<1x16xf32>
        tpu.vector_store %arg16[%swap3A_246, %swap3A_247], %swap3A_250 {strides = array<i32>} : memref<2x4096xf32, #tpu.memory_space<vmem>>, vector<1x16xf32>,
        %add3A_251 = arith.constant 16 : i32
        %add3A_252 = arith.addi %mul3A_233, %add3A_251 : i32
        %get3A_253 = arith.constant 0 : i32
        %get3A_254 = arith.index_cast %get3A_253 : i32 to index
        %get3A_255 = arith.index_cast %add3A_252 : i32 to index
        %get3A_256 = tpu.vector_load %arg8[%get3A_254, %get3A_255] {strides = array<i32>} : memref<2x4096xf32, #tpu.memory_space<vmem>>, vector<1x16xf32>,
        %get3A_257 = vector.shape_cast %get3A_256 : vector<1x16xf32> to vector<16xf32>
        %get3A_258 = arith.constant 0 : i32
        %get3A_259 = arith.index_cast %get3A_258 : i32 to index
        %get3A_260 = arith.index_cast %add3A_252 : i32 to index
        %get3A_261 = tpu.vector_load %arg12[%get3A_259, %get3A_260] {strides = array<i32>} : memref<2x4096xf32, #tpu.memory_space<vmem>>, vector<1x16xf32>,
        %get3A_262 = vector.shape_cast %get3A_261 : vector<1x16xf32> to vector<16xf32>
        %add3A_263 = arith.addf %get3A_257, %get3A_262 : vector<16xf32>
        %swap3A_264 = arith.constant 0 : i32
        %swap3A_265 = arith.index_cast %swap3A_264 : i32 to index
        %swap3A_266 = arith.index_cast %add3A_252 : i32 to index
        %swap3A_267 = tpu.vector_load %arg16[%swap3A_265, %swap3A_266] {strides = array<i32>} : memref<2x4096xf32, #tpu.memory_space<vmem>>, vector<1x16xf32>,
        %swap3A_268 = vector.shape_cast %swap3A_267 : vector<1x16xf32> to vector<16xf32>
        %swap3A_269 = vector.shape_cast %add3A_263 : vector<16xf32> to vector<1x16xf32>
        tpu.vector_store %arg16[%swap3A_265, %swap3A_266], %swap3A_269 {strides = array<i32>} : memref<2x4096xf32, #tpu.memory_space<vmem>>, vector<1x16xf32>,
        %add3A_270 = arith.constant 32 : i32
        %add3A_271 = arith.addi %mul3A_233, %add3A_270 : i32
        %get3A_272 = arith.constant 0 : i32
        %get3A_273 = arith.index_cast %get3A_272 : i32 to index
        %get3A_274 = arith.index_cast %add3A_271 : i32 to index
        %get3A_275 = tpu.vector_load %arg8[%get3A_273, %get3A_274] {strides = array<i32>} : memref<2x4096xf32, #tpu.memory_space<vmem>>, vector<1x16xf32>,
        %get3A_276 = vector.shape_cast %get3A_275 : vector<1x16xf32> to vector<16xf32>
        %get3A_277 = arith.constant 0 : i32
        %get3A_278 = arith.index_cast %get3A_277 : i32 to index
        %get3A_279 = arith.index_cast %add3A_271 : i32 to index
        %get3A_280 = tpu.vector_load %arg12[%get3A_278, %get3A_279] {strides = array<i32>} : memref<2x4096xf32, #tpu.memory_space<vmem>>, vector<1x16xf32>,
        %get3A_281 = vector.shape_cast %get3A_280 : vector<1x16xf32> to vector<16xf32>
        %add3A_282 = arith.addf %get3A_276, %get3A_281 : vector<16xf32>
        %swap3A_283 = arith.constant 0 : i32
        %swap3A_284 = arith.index_cast %swap3A_283 : i32 to index
        %swap3A_285 = arith.index_cast %add3A_271 : i32 to index
        %swap3A_286 = tpu.vector_load %arg16[%swap3A_284, %swap3A_285] {strides = array<i32>} : memref<2x4096xf32, #tpu.memory_space<vmem>>, vector<1x16xf32>,
        %swap3A_287 = vector.shape_cast %swap3A_286 : vector<1x16xf32> to vector<16xf32>
        %swap3A_288 = vector.shape_cast %add3A_282 : vector<16xf32> to vector<1x16xf32>
        tpu.vector_store %arg16[%swap3A_284, %swap3A_285], %swap3A_288 {strides = array<i32>} : memref<2x4096xf32, #tpu.memory_space<vmem>>, vector<1x16xf32>,
        %add3A_289 = arith.constant 48 : i32
        %add3A_290 = arith.addi %mul3A_233, %add3A_289 : i32
        %get3A_291 = arith.constant 0 : i32
        %get3A_292 = arith.index_cast %get3A_291 : i32 to index
        %get3A_293 = arith.index_cast %add3A_290 : i32 to index
        %get3A_294 = tpu.vector_load %arg8[%get3A_292, %get3A_293] {strides = array<i32>} : memref<2x4096xf32, #tpu.memory_space<vmem>>, vector<1x16xf32>,
        %get3A_295 = vector.shape_cast %get3A_294 : vector<1x16xf32> to vector<16xf32>
        %get3A_296 = arith.constant 0 : i32
        %get3A_297 = arith.index_cast %get3A_296 : i32 to index
        %get3A_298 = arith.index_cast %add3A_290 : i32 to index
        %get3A_299 = tpu.vector_load %arg12[%get3A_297, %get3A_298] {strides = array<i32>} : memref<2x4096xf32, #tpu.memory_space<vmem>>, vector<1x16xf32>,
        %get3A_300 = vector.shape_cast %get3A_299 : vector<1x16xf32> to vector<16xf32>
        %add3A_301 = arith.addf %get3A_295, %get3A_300 : vector<16xf32>
        %swap3A_302 = arith.constant 0 : i32
        %swap3A_303 = arith.index_cast %swap3A_302 : i32 to index
        %swap3A_304 = arith.index_cast %add3A_290 : i32 to index
        %swap3A_305 = tpu.vector_load %arg16[%swap3A_303, %swap3A_304] {strides = array<i32>} : memref<2x4096xf32, #tpu.memory_space<vmem>>, vector<1x16xf32>,
        %swap3A_306 = vector.shape_cast %swap3A_305 : vector<1x16xf32> to vector<16xf32>
        %swap3A_307 = vector.shape_cast %add3A_301 : vector<16xf32> to vector<1x16xf32>
        tpu.vector_store %arg16[%swap3A_303, %swap3A_304], %swap3A_307 {strides = array<i32>} : memref<2x4096xf32, #tpu.memory_space<vmem>>, vector<1x16xf32>,
        %add3A_308 = arith.constant 64 : i32
        %add3A_309 = arith.addi %mul3A_233, %add3A_308 : i32
        %get3A_310 = arith.constant 0 : i32
        %get3A_311 = arith.index_cast %get3A_310 : i32 to index
        %get3A_312 = arith.index_cast %add3A_309 : i32 to index
        %get3A_313 = tpu.vector_load %arg8[%get3A_311, %get3A_312] {strides = array<i32>} : memref<2x4096xf32, #tpu.memory_space<vmem>>, vector<1x16xf32>,
        %get3A_314 = vector.shape_cast %get3A_313 : vector<1x16xf32> to vector<16xf32>
        %get3A_315 = arith.constant 0 : i32
        %get3A_316 = arith.index_cast %get3A_315 : i32 to index
        %get3A_317 = arith.index_cast %add3A_309 : i32 to index
        %get3A_318 = tpu.vector_load %arg12[%get3A_316, %get3A_317] {strides = array<i32>} : memref<2x4096xf32, #tpu.memory_space<vmem>>, vector<1x16xf32>,
        %get3A_319 = vector.shape_cast %get3A_318 : vector<1x16xf32> to vector<16xf32>
        %add3A_320 = arith.addf %get3A_314, %get3A_319 : vector<16xf32>
        %swap3A_321 = arith.constant 0 : i32
        %swap3A_322 = arith.index_cast %swap3A_321 : i32 to index
        %swap3A_323 = arith.index_cast %add3A_309 : i32 to index
        %swap3A_324 = tpu.vector_load %arg16[%swap3A_322, %swap3A_323] {strides = array<i32>} : memref<2x4096xf32, #tpu.memory_space<vmem>>, vector<1x16xf32>,
        %swap3A_325 = vector.shape_cast %swap3A_324 : vector<1x16xf32> to vector<16xf32>
        %swap3A_326 = vector.shape_cast %add3A_320 : vector<16xf32> to vector<1x16xf32>
        tpu.vector_store %arg16[%swap3A_322, %swap3A_323], %swap3A_326 {strides = array<i32>} : memref<2x4096xf32, #tpu.memory_space<vmem>>, vector<1x16xf32>,
        %add3A_327 = arith.constant 80 : i32
        %add3A_328 = arith.addi %mul3A_233, %add3A_327 : i32
        %get3A_329 = arith.constant 0 : i32
        %get3A_330 = arith.index_cast %get3A_329 : i32 to index
        %get3A_331 = arith.index_cast %add3A_328 : i32 to index
        %get3A_332 = tpu.vector_load %arg8[%get3A_330, %get3A_331] {strides = array<i32>} : memref<2x4096xf32, #tpu.memory_space<vmem>>, vector<1x16xf32>,
        %get3A_333 = vector.shape_cast %get3A_332 : vector<1x16xf32> to vector<16xf32>
        %get3A_334 = arith.constant 0 : i32
        %get3A_335 = arith.index_cast %get3A_334 : i32 to index
        %get3A_336 = arith.index_cast %add3A_328 : i32 to index
        %get3A_337 = tpu.vector_load %arg12[%get3A_335, %get3A_336] {strides = array<i32>} : memref<2x4096xf32, #tpu.memory_space<vmem>>, vector<1x16xf32>,
        %get3A_338 = vector.shape_cast %get3A_337 : vector<1x16xf32> to vector<16xf32>
        %add3A_339 = arith.addf %get3A_333, %get3A_338 : vector<16xf32>
        %swap3A_340 = arith.constant 0 : i32
        %swap3A_341 = arith.index_cast %swap3A_340 : i32 to index
        %swap3A_342 = arith.index_cast %add3A_328 : i32 to index
        %swap3A_343 = tpu.vector_load %arg16[%swap3A_341, %swap3A_342] {strides = array<i32>} : memref<2x4096xf32, #tpu.memory_space<vmem>>, vector<1x16xf32>,
        %swap3A_344 = vector.shape_cast %swap3A_343 : vector<1x16xf32> to vector<16xf32>
        %swap3A_345 = vector.shape_cast %add3A_339 : vector<16xf32> to vector<1x16xf32>
        tpu.vector_store %arg16[%swap3A_341, %swap3A_342], %swap3A_345 {strides = array<i32>} : memref<2x4096xf32, #tpu.memory_space<vmem>>, vector<1x16xf32>,
        %add3A_346 = arith.constant 96 : i32
        %add3A_347 = arith.addi %mul3A_233, %add3A_346 : i32
        %get3A_348 = arith.constant 0 : i32
        %get3A_349 = arith.index_cast %get3A_348 : i32 to index
        %get3A_350 = arith.index_cast %add3A_347 : i32 to index
        %get3A_351 = tpu.vector_load %arg8[%get3A_349, %get3A_350] {strides = array<i32>} : memref<2x4096xf32, #tpu.memory_space<vmem>>, vector<1x16xf32>,
        %get3A_352 = vector.shape_cast %get3A_351 : vector<1x16xf32> to vector<16xf32>
        %get3A_353 = arith.constant 0 : i32
        %get3A_354 = arith.index_cast %get3A_353 : i32 to index
        %get3A_355 = arith.index_cast %add3A_347 : i32 to index
        %get3A_356 = tpu.vector_load %arg12[%get3A_354, %get3A_355] {strides = array<i32>} : memref<2x4096xf32, #tpu.memory_space<vmem>>, vector<1x16xf32>,
        %get3A_357 = vector.shape_cast %get3A_356 : vector<1x16xf32> to vector<16xf32>
        %add3A_358 = arith.addf %get3A_352, %get3A_357 : vector<16xf32>
        %swap3A_359 = arith.constant 0 : i32
        %swap3A_360 = arith.index_cast %swap3A_359 : i32 to index
        %swap3A_361 = arith.index_cast %add3A_347 : i32 to index
        %swap3A_362 = tpu.vector_load %arg16[%swap3A_360, %swap3A_361] {strides = array<i32>} : memref<2x4096xf32, #tpu.memory_space<vmem>>, vector<1x16xf32>,
        %swap3A_363 = vector.shape_cast %swap3A_362 : vector<1x16xf32> to vector<16xf32>
        %swap3A_364 = vector.shape_cast %add3A_358 : vector<16xf32> to vector<1x16xf32>
        tpu.vector_store %arg16[%swap3A_360, %swap3A_361], %swap3A_364 {strides = array<i32>} : memref<2x4096xf32, #tpu.memory_space<vmem>>, vector<1x16xf32>,
        %add3A_365 = arith.constant 112 : i32
        %add3A_366 = arith.addi %mul3A_233, %add3A_365 : i32
        %get3A_367 = arith.constant 0 : i32
        %get3A_368 = arith.index_cast %get3A_367 : i32 to index
        %get3A_369 = arith.index_cast %add3A_366 : i32 to index
        %get3A_370 = tpu.vector_load %arg8[%get3A_368, %get3A_369] {strides = array<i32>} : memref<2x4096xf32, #tpu.memory_space<vmem>>, vector<1x16xf32>,
        %get3A_371 = vector.shape_cast %get3A_370 : vector<1x16xf32> to vector<16xf32>
        %get3A_372 = arith.constant 0 : i32
        %get3A_373 = arith.index_cast %get3A_372 : i32 to index
        %get3A_374 = arith.index_cast %add3A_366 : i32 to index
        %get3A_375 = tpu.vector_load %arg12[%get3A_373, %get3A_374] {strides = array<i32>} : memref<2x4096xf32, #tpu.memory_space<vmem>>, vector<1x16xf32>,
        %get3A_376 = vector.shape_cast %get3A_375 : vector<1x16xf32> to vector<16xf32>
        %add3A_377 = arith.addf %get3A_371, %get3A_376 : vector<16xf32>
        %swap3A_378 = arith.constant 0 : i32
        %swap3A_379 = arith.index_cast %swap3A_378 : i32 to index
        %swap3A_380 = arith.index_cast %add3A_366 : i32 to index
        %swap3A_381 = tpu.vector_load %arg16[%swap3A_379, %swap3A_380] {strides = array<i32>} : memref<2x4096xf32, #tpu.memory_space<vmem>>, vector<1x16xf32>,
        %swap3A_382 = vector.shape_cast %swap3A_381 : vector<1x16xf32> to vector<16xf32>
        %swap3A_383 = vector.shape_cast %add3A_377 : vector<16xf32> to vector<1x16xf32>
        tpu.vector_store %arg16[%swap3A_379, %swap3A_380], %swap3A_383 {strides = array<i32>} : memref<2x4096xf32, #tpu.memory_space<vmem>>, vector<1x16xf32>,
      }
      %scan3A_210 = arith.constant 32 : i32
      %scan3A_211 = arith.constant 0 : i32
      %scan3A_212 = arith.constant 0 : i32
      %scan3A_213 = arith.constant 32 : i32
      %scan3A_214 = arith.addi %scan3A_212, %scan3A_213 : i32
      %scan3A_215 = arith.constant 1 : i32
      scf.for %scan3A_231 = %scan3A_212 to %scan3A_214 step %scan3A_215  : i32 {
        %mul3A_232 = arith.constant 128 : i32
        %mul3A_233 = arith.muli %scan3A_231, %mul3A_232 : i32
        %add3A_234 = arith.constant 0 : i32
        %add3A_235 = arith.addi %mul3A_233, %add3A_234 : i32
        %get3A = arith.constant 1 : i32
        %get3A_236 = arith.index_cast %get3A : i32 to index
        %get3A_237 = arith.index_cast %add3A_235 : i32 to index
        %get3A_238 = tpu.vector_load %arg8[%get3A_236, %get3A_237] {strides = array<i32>} : memref<2x4096xf32, #tpu.memory_space<vmem>>, vector<1x16xf32>,
        %get3A_239 = vector.shape_cast %get3A_238 : vector<1x16xf32> to vector<16xf32>
        %get3A_240 = arith.constant 1 : i32
        %get3A_241 = arith.index_cast %get3A_240 : i32 to index
        %get3A_242 = arith.index_cast %add3A_235 : i32 to index
        %get3A_243 = tpu.vector_load %arg12[%get3A_241, %get3A_242] {strides = array<i32>} : memref<2x4096xf32, #tpu.memory_space<vmem>>, vector<1x16xf32>,
        %get3A_244 = vector.shape_cast %get3A_243 : vector<1x16xf32> to vector<16xf32>
        %add3A_245 = arith.addf %get3A_239, %get3A_244 : vector<16xf32>
        %swap3A = arith.constant 1 : i32
        %swap3A_246 = arith.index_cast %swap3A : i32 to index
        %swap3A_247 = arith.index_cast %add3A_235 : i32 to index
        %swap3A_248 = tpu.vector_load %arg16[%swap3A_246, %swap3A_247] {strides = array<i32>} : memref<2x4096xf32, #tpu.memory_space<vmem>>, vector<1x16xf32>,
        %swap3A_249 = vector.shape_cast %swap3A_248 : vector<1x16xf32> to vector<16xf32>
        %swap3A_250 = vector.shape_cast %add3A_245 : vector<16xf32> to vector<1x16xf32>
        tpu.vector_store %arg16[%swap3A_246, %swap3A_247], %swap3A_250 {strides = array<i32>} : memref<2x4096xf32, #tpu.memory_space<vmem>>, vector<1x16xf32>,
        %add3A_251 = arith.constant 16 : i32
        %add3A_252 = arith.addi %mul3A_233, %add3A_251 : i32
        %get3A_253 = arith.constant 1 : i32
        %get3A_254 = arith.index_cast %get3A_253 : i32 to index
        %get3A_255 = arith.index_cast %add3A_252 : i32 to index
        %get3A_256 = tpu.vector_load %arg8[%get3A_254, %get3A_255] {strides = array<i32>} : memref<2x4096xf32, #tpu.memory_space<vmem>>, vector<1x16xf32>,
        %get3A_257 = vector.shape_cast %get3A_256 : vector<1x16xf32> to vector<16xf32>
        %get3A_258 = arith.constant 1 : i32
        %get3A_259 = arith.index_cast %get3A_258 : i32 to index
        %get3A_260 = arith.index_cast %add3A_252 : i32 to index
        %get3A_261 = tpu.vector_load %arg12[%get3A_259, %get3A_260] {strides = array<i32>} : memref<2x4096xf32, #tpu.memory_space<vmem>>, vector<1x16xf32>,
        %get3A_262 = vector.shape_cast %get3A_261 : vector<1x16xf32> to vector<16xf32>
        %add3A_263 = arith.addf %get3A_257, %get3A_262 : vector<16xf32>
        %swap3A_264 = arith.constant 1 : i32
        %swap3A_265 = arith.index_cast %swap3A_264 : i32 to index
        %swap3A_266 = arith.index_cast %add3A_252 : i32 to index
        %swap3A_267 = tpu.vector_load %arg16[%swap3A_265, %swap3A_266] {strides = array<i32>} : memref<2x4096xf32, #tpu.memory_space<vmem>>, vector<1x16xf32>,
        %swap3A_268 = vector.shape_cast %swap3A_267 : vector<1x16xf32> to vector<16xf32>
        %swap3A_269 = vector.shape_cast %add3A_263 : vector<16xf32> to vector<1x16xf32>
        tpu.vector_store %arg16[%swap3A_265, %swap3A_266], %swap3A_269 {strides = array<i32>} : memref<2x4096xf32, #tpu.memory_space<vmem>>, vector<1x16xf32>,
        %add3A_270 = arith.constant 32 : i32
        %add3A_271 = arith.addi %mul3A_233, %add3A_270 : i32
        %get3A_272 = arith.constant 1 : i32
        %get3A_273 = arith.index_cast %get3A_272 : i32 to index
        %get3A_274 = arith.index_cast %add3A_271 : i32 to index
        %get3A_275 = tpu.vector_load %arg8[%get3A_273, %get3A_274] {strides = array<i32>} : memref<2x4096xf32, #tpu.memory_space<vmem>>, vector<1x16xf32>,
        %get3A_276 = vector.shape_cast %get3A_275 : vector<1x16xf32> to vector<16xf32>
        %get3A_277 = arith.constant 1 : i32
        %get3A_278 = arith.index_cast %get3A_277 : i32 to index
        %get3A_279 = arith.index_cast %add3A_271 : i32 to index
        %get3A_280 = tpu.vector_load %arg12[%get3A_278, %get3A_279] {strides = array<i32>} : memref<2x4096xf32, #tpu.memory_space<vmem>>, vector<1x16xf32>,
        %get3A_281 = vector.shape_cast %get3A_280 : vector<1x16xf32> to vector<16xf32>
        %add3A_282 = arith.addf %get3A_276, %get3A_281 : vector<16xf32>
        %swap3A_283 = arith.constant 1 : i32
        %swap3A_284 = arith.index_cast %swap3A_283 : i32 to index
        %swap3A_285 = arith.index_cast %add3A_271 : i32 to index
        %swap3A_286 = tpu.vector_load %arg16[%swap3A_284, %swap3A_285] {strides = array<i32>} : memref<2x4096xf32, #tpu.memory_space<vmem>>, vector<1x16xf32>,
        %swap3A_287 = vector.shape_cast %swap3A_286 : vector<1x16xf32> to vector<16xf32>
        %swap3A_288 = vector.shape_cast %add3A_282 : vector<16xf32> to vector<1x16xf32>
        tpu.vector_store %arg16[%swap3A_284, %swap3A_285], %swap3A_288 {strides = array<i32>} : memref<2x4096xf32, #tpu.memory_space<vmem>>, vector<1x16xf32>,
        %add3A_289 = arith.constant 48 : i32
        %add3A_290 = arith.addi %mul3A_233, %add3A_289 : i32
        %get3A_291 = arith.constant 1 : i32
        %get3A_292 = arith.index_cast %get3A_291 : i32 to index
        %get3A_293 = arith.index_cast %add3A_290 : i32 to index
        %get3A_294 = tpu.vector_load %arg8[%get3A_292, %get3A_293] {strides = array<i32>} : memref<2x4096xf32, #tpu.memory_space<vmem>>, vector<1x16xf32>,
        %get3A_295 = vector.shape_cast %get3A_294 : vector<1x16xf32> to vector<16xf32>
        %get3A_296 = arith.constant 1 : i32
        %get3A_297 = arith.index_cast %get3A_296 : i32 to index
        %get3A_298 = arith.index_cast %add3A_290 : i32 to index
        %get3A_299 = tpu.vector_load %arg12[%get3A_297, %get3A_298] {strides = array<i32>} : memref<2x4096xf32, #tpu.memory_space<vmem>>, vector<1x16xf32>,
        %get3A_300 = vector.shape_cast %get3A_299 : vector<1x16xf32> to vector<16xf32>
        %add3A_301 = arith.addf %get3A_295, %get3A_300 : vector<16xf32>
        %swap3A_302 = arith.constant 1 : i32
        %swap3A_303 = arith.index_cast %swap3A_302 : i32 to index
        %swap3A_304 = arith.index_cast %add3A_290 : i32 to index
        %swap3A_305 = tpu.vector_load %arg16[%swap3A_303, %swap3A_304] {strides = array<i32>} : memref<2x4096xf32, #tpu.memory_space<vmem>>, vector<1x16xf32>,
        %swap3A_306 = vector.shape_cast %swap3A_305 : vector<1x16xf32> to vector<16xf32>
        %swap3A_307 = vector.shape_cast %add3A_301 : vector<16xf32> to vector<1x16xf32>
        tpu.vector_store %arg16[%swap3A_303, %swap3A_304], %swap3A_307 {strides = array<i32>} : memref<2x4096xf32, #tpu.memory_space<vmem>>, vector<1x16xf32>,
        %add3A_308 = arith.constant 64 : i32
        %add3A_309 = arith.addi %mul3A_233, %add3A_308 : i32
        %get3A_310 = arith.constant 1 : i32
        %get3A_311 = arith.index_cast %get3A_310 : i32 to index
        %get3A_312 = arith.index_cast %add3A_309 : i32 to index
        %get3A_313 = tpu.vector_load %arg8[%get3A_311, %get3A_312] {strides = array<i32>} : memref<2x4096xf32, #tpu.memory_space<vmem>>, vector<1x16xf32>,
        %get3A_314 = vector.shape_cast %get3A_313 : vector<1x16xf32> to vector<16xf32>
        %get3A_315 = arith.constant 1 : i32
        %get3A_316 = arith.index_cast %get3A_315 : i32 to index
        %get3A_317 = arith.index_cast %add3A_309 : i32 to index
        %get3A_318 = tpu.vector_load %arg12[%get3A_316, %get3A_317] {strides = array<i32>} : memref<2x4096xf32, #tpu.memory_space<vmem>>, vector<1x16xf32>,
        %get3A_319 = vector.shape_cast %get3A_318 : vector<1x16xf32> to vector<16xf32>
        %add3A_320 = arith.addf %get3A_314, %get3A_319 : vector<16xf32>
        %swap3A_321 = arith.constant 1 : i32
        %swap3A_322 = arith.index_cast %swap3A_321 : i32 to index
        %swap3A_323 = arith.index_cast %add3A_309 : i32 to index
        %swap3A_324 = tpu.vector_load %arg16[%swap3A_322, %swap3A_323] {strides = array<i32>} : memref<2x4096xf32, #tpu.memory_space<vmem>>, vector<1x16xf32>,
        %swap3A_325 = vector.shape_cast %swap3A_324 : vector<1x16xf32> to vector<16xf32>
        %swap3A_326 = vector.shape_cast %add3A_320 : vector<16xf32> to vector<1x16xf32>
        tpu.vector_store %arg16[%swap3A_322, %swap3A_323], %swap3A_326 {strides = array<i32>} : memref<2x4096xf32, #tpu.memory_space<vmem>>, vector<1x16xf32>,
        %add3A_327 = arith.constant 80 : i32
        %add3A_328 = arith.addi %mul3A_233, %add3A_327 : i32
        %get3A_329 = arith.constant 1 : i32
        %get3A_330 = arith.index_cast %get3A_329 : i32 to index
        %get3A_331 = arith.index_cast %add3A_328 : i32 to index
        %get3A_332 = tpu.vector_load %arg8[%get3A_330, %get3A_331] {strides = array<i32>} : memref<2x4096xf32, #tpu.memory_space<vmem>>, vector<1x16xf32>,
        %get3A_333 = vector.shape_cast %get3A_332 : vector<1x16xf32> to vector<16xf32>
        %get3A_334 = arith.constant 1 : i32
        %get3A_335 = arith.index_cast %get3A_334 : i32 to index
        %get3A_336 = arith.index_cast %add3A_328 : i32 to index
        %get3A_337 = tpu.vector_load %arg12[%get3A_335, %get3A_336] {strides = array<i32>} : memref<2x4096xf32, #tpu.memory_space<vmem>>, vector<1x16xf32>,
        %get3A_338 = vector.shape_cast %get3A_337 : vector<1x16xf32> to vector<16xf32>
        %add3A_339 = arith.addf %get3A_333, %get3A_338 : vector<16xf32>
        %swap3A_340 = arith.constant 1 : i32
        %swap3A_341 = arith.index_cast %swap3A_340 : i32 to index
        %swap3A_342 = arith.index_cast %add3A_328 : i32 to index
        %swap3A_343 = tpu.vector_load %arg16[%swap3A_341, %swap3A_342] {strides = array<i32>} : memref<2x4096xf32, #tpu.memory_space<vmem>>, vector<1x16xf32>,
        %swap3A_344 = vector.shape_cast %swap3A_343 : vector<1x16xf32> to vector<16xf32>
        %swap3A_345 = vector.shape_cast %add3A_339 : vector<16xf32> to vector<1x16xf32>
        tpu.vector_store %arg16[%swap3A_341, %swap3A_342], %swap3A_345 {strides = array<i32>} : memref<2x4096xf32, #tpu.memory_space<vmem>>, vector<1x16xf32>,
        %add3A_346 = arith.constant 96 : i32
        %add3A_347 = arith.addi %mul3A_233, %add3A_346 : i32
        %get3A_348 = arith.constant 1 : i32
        %get3A_349 = arith.index_cast %get3A_348 : i32 to index
        %get3A_350 = arith.index_cast %add3A_347 : i32 to index
        %get3A_351 = tpu.vector_load %arg8[%get3A_349, %get3A_350] {strides = array<i32>} : memref<2x4096xf32, #tpu.memory_space<vmem>>, vector<1x16xf32>,
        %get3A_352 = vector.shape_cast %get3A_351 : vector<1x16xf32> to vector<16xf32>
        %get3A_353 = arith.constant 1 : i32
        %get3A_354 = arith.index_cast %get3A_353 : i32 to index
        %get3A_355 = arith.index_cast %add3A_347 : i32 to index
        %get3A_356 = tpu.vector_load %arg12[%get3A_354, %get3A_355] {strides = array<i32>} : memref<2x4096xf32, #tpu.memory_space<vmem>>, vector<1x16xf32>,
        %get3A_357 = vector.shape_cast %get3A_356 : vector<1x16xf32> to vector<16xf32>
        %add3A_358 = arith.addf %get3A_352, %get3A_357 : vector<16xf32>
        %swap3A_359 = arith.constant 1 : i32
        %swap3A_360 = arith.index_cast %swap3A_359 : i32 to index
        %swap3A_361 = arith.index_cast %add3A_347 : i32 to index
        %swap3A_362 = tpu.vector_load %arg16[%swap3A_360, %swap3A_361] {strides = array<i32>} : memref<2x4096xf32, #tpu.memory_space<vmem>>, vector<1x16xf32>,
        %swap3A_363 = vector.shape_cast %swap3A_362 : vector<1x16xf32> to vector<16xf32>
        %swap3A_364 = vector.shape_cast %add3A_358 : vector<16xf32> to vector<1x16xf32>
        tpu.vector_store %arg16[%swap3A_360, %swap3A_361], %swap3A_364 {strides = array<i32>} : memref<2x4096xf32, #tpu.memory_space<vmem>>, vector<1x16xf32>,
        %add3A_365 = arith.constant 112 : i32
        %add3A_366 = arith.addi %mul3A_233, %add3A_365 : i32
        %get3A_367 = arith.constant 1 : i32
        %get3A_368 = arith.index_cast %get3A_367 : i32 to index
        %get3A_369 = arith.index_cast %add3A_366 : i32 to index
        %get3A_370 = tpu.vector_load %arg8[%get3A_368, %get3A_369] {strides = array<i32>} : memref<2x4096xf32, #tpu.memory_space<vmem>>, vector<1x16xf32>,
        %get3A_371 = vector.shape_cast %get3A_370 : vector<1x16xf32> to vector<16xf32>
        %get3A_372 = arith.constant 1 : i32
        %get3A_373 = arith.index_cast %get3A_372 : i32 to index
        %get3A_374 = arith.index_cast %add3A_366 : i32 to index
        %get3A_375 = tpu.vector_load %arg12[%get3A_373, %get3A_374] {strides = array<i32>} : memref<2x4096xf32, #tpu.memory_space<vmem>>, vector<1x16xf32>,
        %get3A_376 = vector.shape_cast %get3A_375 : vector<1x16xf32> to vector<16xf32>
        %add3A_377 = arith.addf %get3A_371, %get3A_376 : vector<16xf32>
        %swap3A_378 = arith.constant 1 : i32
        %swap3A_379 = arith.index_cast %swap3A_378 : i32 to index
        %swap3A_380 = arith.index_cast %add3A_366 : i32 to index
        %swap3A_381 = tpu.vector_load %arg16[%swap3A_379, %swap3A_380] {strides = array<i32>} : memref<2x4096xf32, #tpu.memory_space<vmem>>, vector<1x16xf32>,
        %swap3A_382 = vector.shape_cast %swap3A_381 : vector<1x16xf32> to vector<16xf32>
        %swap3A_383 = vector.shape_cast %add3A_377 : vector<16xf32> to vector<1x16xf32>
        tpu.vector_store %arg16[%swap3A_379, %swap3A_380], %swap3A_383 {strides = array<i32>} : memref<2x4096xf32, #tpu.memory_space<vmem>>, vector<1x16xf32>,
      }
      %scan3A_216 = arith.constant 32 : i32
      %mul3A_217 = arith.constant 2 : i32
      %mul3A_218 = arith.muli %add3A_191, %mul3A_217 : i32
      %add3A_219 = arith.addi %mul3A_2, %mul3A_218 : i32
      %dma_start3A_220 = arith.constant 0 : i32
      %dma_start3A_221 = tpu.memref_slice %arg4[%add3A_219, %dma_start3A_220] : memref<4096x4096xf32, #tpu.memory_space<hbm>> -> memref<2x4096xf32, #tpu.memory_space<hbm>>
      %dma_start3A_222 = arith.constant 0 : i32
      %dma_start3A_223 = tpu.memref_slice %arg4[%add3A_219, %dma_start3A_222] : memref<4096x4096xf32, #tpu.memory_space<hbm>> -> memref<2x4096xf32, #tpu.memory_space<hbm>>
      tpu.enqueue_dma source(%arg16 : memref<2x4096xf32, #tpu.memory_space<vmem>>) target(%dma_start3A_223 : memref<2x4096xf32, #tpu.memory_space<hbm>>) target_semaphore(%arg24 : memref<!tpu.dma_semaphore, #tpu.memory_space<semaphore_mem>>)
      %add3A_224 = arith.constant 4 : i32
      %add3A_225 = arith.addi %add3A_191, %add3A_224 : i32
      %lt3A_226 = arith.constant 64 : i32
      %lt3A_227 = arith.cmpi slt, %add3A_225, %lt3A_226 : i32
      %convert_element_type3A_228 = arith.extui %lt3A_227 : i1 to i32
      %cond3A_229 = arith.constant 0 : i32
      %cond3A_230 = arith.cmpi ne, %convert_element_type3A_228, %cond3A_229 : i32
      scf.if %cond3A_230 {
        %add3A_231 = arith.constant 4 : i32
        %add3A_232 = arith.addi %add3A_191, %add3A_231 : i32
        %mul3A_233 = arith.constant 2 : i32
        %mul3A_234 = arith.muli %add3A_232, %mul3A_233 : i32
        %add3A_235 = arith.addi %mul3A_2, %mul3A_234 : i32
        %dma_start3A_236 = arith.constant 0 : i32
        %dma_start3A_237 = tpu.memref_slice %arg2[%add3A_235, %dma_start3A_236] : memref<4096x4096xf32, #tpu.memory_space<hbm>> -> memref<2x4096xf32, #tpu.memory_space<hbm>>
        %dma_start3A_238 = arith.constant 0 : i32
        %dma_start3A_239 = tpu.memref_slice %arg2[%add3A_235, %dma_start3A_238] : memref<4096x4096xf32, #tpu.memory_space<hbm>> -> memref<2x4096xf32, #tpu.memory_space<hbm>>
        tpu.enqueue_dma source(%dma_start3A_239 : memref<2x4096xf32, #tpu.memory_space<hbm>>) target(%arg8 : memref<2x4096xf32, #tpu.memory_space<vmem>>) target_semaphore(%arg20 : memref<!tpu.dma_semaphore, #tpu.memory_space<semaphore_mem>>)
        %dma_start3A_240 = arith.constant 0 : i32
        %dma_start3A_241 = tpu.memref_slice %arg3[%add3A_235, %dma_start3A_240] : memref<4096x4096xf32, #tpu.memory_space<hbm>> -> memref<2x4096xf32, #tpu.memory_space<hbm>>
        %dma_start3A_242 = arith.constant 0 : i32
        %dma_start3A_243 = tpu.memref_slice %arg3[%add3A_235, %dma_start3A_242] : memref<4096x4096xf32, #tpu.memory_space<hbm>> -> memref<2x4096xf32, #tpu.memory_space<hbm>>
        tpu.enqueue_dma source(%dma_start3A_243 : memref<2x4096xf32, #tpu.memory_space<hbm>>) target(%arg12 : memref<2x4096xf32, #tpu.memory_space<vmem>>) target_semaphore(%arg20 : memref<!tpu.dma_semaphore, #tpu.memory_space<semaphore_mem>>)
      } else {
      }
    }
    %scan3A_46 = arith.constant 16 : i32
    %dma_wait3A = arith.constant 0 : i32
    %dma_wait3A_47 = tpu.memref_slice %arg4[%mul3A_2, %dma_wait3A] : memref<4096x4096xf32, #tpu.memory_space<hbm>> -> memref<2x4096xf32, #tpu.memory_space<hbm>>
    %dma_wait3A_48 = arith.constant 0 : i32
    %dma_wait3A_49 = tpu.memref_slice %arg4[%mul3A_2, %dma_wait3A_48] : memref<4096x4096xf32, #tpu.memory_space<hbm>> -> memref<2x4096xf32, #tpu.memory_space<hbm>>
    tpu.wait_dma2 semaphore(%arg21 : memref<!tpu.dma_semaphore, #tpu.memory_space<semaphore_mem>>) src(%arg13 : memref<2x4096xf32, #tpu.memory_space<vmem>>) dst(%dma_wait3A_49 : memref<2x4096xf32, #tpu.memory_space<hbm>>)
    %dma_wait3A_50 = arith.constant 0 : i32
    %dma_wait3A_51 = tpu.memref_slice %arg4[%mul3A_2, %dma_wait3A_50] : memref<4096x4096xf32, #tpu.memory_space<hbm>> -> memref<2x4096xf32, #tpu.memory_space<hbm>>
    %dma_wait3A_52 = arith.constant 0 : i32
    %dma_wait3A_53 = tpu.memref_slice %arg4[%mul3A_2, %dma_wait3A_52] : memref<4096x4096xf32, #tpu.memory_space<hbm>> -> memref<2x4096xf32, #tpu.memory_space<hbm>>
    tpu.wait_dma2 semaphore(%arg22 : memref<!tpu.dma_semaphore, #tpu.memory_space<semaphore_mem>>) src(%arg14 : memref<2x4096xf32, #tpu.memory_space<vmem>>) dst(%dma_wait3A_53 : memref<2x4096xf32, #tpu.memory_space<hbm>>)
    %dma_wait3A_54 = arith.constant 0 : i32
    %dma_wait3A_55 = tpu.memref_slice %arg4[%mul3A_2, %dma_wait3A_54] : memref<4096x4096xf32, #tpu.memory_space<hbm>> -> memref<2x4096xf32, #tpu.memory_space<hbm>>
    %dma_wait3A_56 = arith.constant 0 : i32
    %dma_wait3A_57 = tpu.memref_slice %arg4[%mul3A_2, %dma_wait3A_56] : memref<4096x4096xf32, #tpu.memory_space<hbm>> -> memref<2x4096xf32, #tpu.memory_space<hbm>>
    tpu.wait_dma2 semaphore(%arg23 : memref<!tpu.dma_semaphore, #tpu.memory_space<semaphore_mem>>) src(%arg15 : memref<2x4096xf32, #tpu.memory_space<vmem>>) dst(%dma_wait3A_57 : memref<2x4096xf32, #tpu.memory_space<hbm>>)
    %dma_wait3A_58 = arith.constant 0 : i32
    %dma_wait3A_59 = tpu.memref_slice %arg4[%mul3A_2, %dma_wait3A_58] : memref<4096x4096xf32, #tpu.memory_space<hbm>> -> memref<2x4096xf32, #tpu.memory_space<hbm>>
    %dma_wait3A_60 = arith.constant 0 : i32
    %dma_wait3A_61 = tpu.memref_slice %arg4[%mul3A_2, %dma_wait3A_60] : memref<4096x4096xf32, #tpu.memory_space<hbm>> -> memref<2x4096xf32, #tpu.memory_space<hbm>>
    tpu.wait_dma2 semaphore(%arg24 : memref<!tpu.dma_semaphore, #tpu.memory_space<semaphore_mem>>) src(%arg16 : memref<2x4096xf32, #tpu.memory_space<vmem>>) dst(%dma_wait3A_61 : memref<2x4096xf32, #tpu.memory_space<hbm>>)
    return
  }
}

</mosaic_0001>

<sc_bundles>
// kernel: kernel.3.cloned.1.call-start
scs
__scs_entry_jumppad:
0x0: {  	(pc) =	sbr.rel $0x88, $3  }
0x1: {  	(tag) =	ssettag $0x0;
	lr =	simm.s32 $0x1  }
0x2: {  	[smem:$0x3F9F] =	sst lr;
	_ =	strace $0xD0000000  }
0x3: {  	_ = 	snop  }
0x4: {  	_ = 	snop  }
0x5: {  	_ = 	snop  }
0x6: {  	_ = 	snop  }
0x7: {  	_ = 	snop  }
__scs_overlays_trampoline_lowered:
0x8: {  	[smem:$0x3FAE] =	sst s0  }
0x9: {  	[smem:$0x3FAF] =	sst s1  }
0xa: {  	[smem:$0x3FB0] =	sst s2  }
0xb: {  	[smem:$0x3FB1] =	sst s3  }
0xc: {  	[smem:$0x3FB2] =	sst s4  }
0xd: {  	[smem:$0x3FB3] =	sst s5  }
0xe: {  	[smem:$0x3FB4] =	sst s6  }
0xf: {  	[smem:$0x3FB5] =	sst s7  }
0x10: {  	[smem:$0x3FB6] =	sst s8  }
0x11: {  	[smem:$0x3FB7] =	sst s9;
	s0 =	simm.s32 @!p0 $0x0  }
0x12: {  	s1 =	sld [smem:$0x3F9D];
	s0 =	simm.s32 @p0 $0x1  }
0x13: {  	[smem:$0x3FB8] =	sst s0;
	s0 =	simm.s32 @!p1 $0x0  }
0x14: {  	s2 =	sld [smem:$0x3F9C];
	s0 =	simm.s32 @p1 $0x1  }
0x15: {  	[smem:$0x3FB9] =	sst s0;
	s0 =	simm.s32 @!p2 $0x0  }
0x16: {  	s3 =	sld [smem:$0x3FDB];
	s0 =	simm.s32 @p2 $0x1  }
0x17: {  	s4 =	simm.s32 $0x1BF5;
	[smem:$0x3FBB] =	sst s0  }
0x18: {  	s0 =	sld [smem:$0x3F9E];
	_ =	swait.ge [sflag:s4], $0x0  }
0x19: {  	s7 =	sld [smem:$0x3F9F]  }
0x1a: {  	s8 =	sadd.s32 $0xFFFFE003, lr  }
0x1b: {  	s9 =	sadd.s32 $0xFFFFFEF7, lr;
	s5 =	simm.s32 $0xFFFFFFFF;
	p2 =	slt.u32 s8, $0xFFFFF086  }
0x1c: {  	p1 =	slt.u32 s9, $0xF7A;
	s5 =	simm.s32 @!p2 $0x0  }
0x1d: {  	s5 =	simm.s32 @p1 $0x1;
	p0 =	seq.s32 s7, s2  }
0x1e: {  	s7 =	smul.u32 @!p0 $0xF7A, s2;
	p2 =	seq.s32 @!p0 s5, $0x0  }
0x1f: {  	s9 =	smul.u32 $0xF7A, s1;
	s8 =	simm.s32 @!p0 $0x1BF5;
	p2 =	por !p2, p0  }
0x20: {  	[sflag:s8] =	ssyncset.s32 @!p0 $0xFFFFF086;
	s6 =	sadd.s32 @!p0 s3, s7;
	s7 =	simm.s32 @!p0 $0x108  }
0x21: {  	s3 =	sadd.s32 s3, s9;
	s6 =	sadd.s32 @!p0 $0x88, s6;
	s7 =	simm.s32 @p2 $0x1082  }
0x22: {  	[simem:s7], [sflag:s8] =	dma.local @!p0 [hbm:s6], $0xF7A  }
0x23: {  	s9 =	sor.u32 $0xD0000000, s2;
	s6 =	simm.s32 $0x108;
	_ =	swait.ge @!p0 [sflag:s8], $0x0  }
0x24: {  	s3 =	sadd.s32 $0x88, s3;
	s6 =	simm.s32 @!p1 $0x1082;
	[sflag:s4] =	ssyncset.s32 $0xFFFFF086  }
0x25: {  	[simem:s6], [sflag:s4] =	dma.local [hbm:s3], $0xF7A  }
0x26: {  	[smem:$0x3F9F] =	sst s1;
	(tag) =	ssettag s2;
	_ =	strace s9  }
0x27: {  	s1 =	sld [smem:$0x3FAF]  }
0x28: {  	s2 =	sld [smem:$0x3FB0]  }
0x29: {  	s4 =	sld [smem:$0x3FB2]  }
0x2a: {  	p0 =	seq.s32 s5, $0x0;
	s5 =	sld [smem:$0x3FB3]  }
0x2b: {  	s6 =	sld [smem:$0x3FB4]  }
0x2c: {  	s7 =	sld [smem:$0x3FB5]  }
0x2d: {  	s3 =	simm.s32 $0x108;
	s8 =	sld [smem:$0x3FB6]  }
0x2e: {  	s3 =	simm.s32 @!p0 $0x1082;
	s9 =	sld [smem:$0x3FB7]  }
0x2f: {  	lr =	sadd.s32 s0, s3;
	s0 =	sld [smem:$0x3FAE]  }
0x30: {  	s3 =	sld [smem:$0x3FB1]  }
0x31: {  	[smem:$0x3FBA] =	sst s10  }
0x32: {  	s10 =	sld [smem:$0x3FB8];
	_ =	sdelay $0x3  }
0x33: {  	p0 =	seq.s32 s10, $0x1;
	s10 =	sld [smem:$0x3FBA];
	_ =	sdelay $0x3  }
0x34: {  	[smem:$0x3FBA] =	sst s10  }
0x35: {  	s10 =	sld [smem:$0x3FB9];
	_ =	sdelay $0x3  }
0x36: {  	p1 =	seq.s32 s10, $0x1;
	s10 =	sld [smem:$0x3FBA];
	_ =	sdelay $0x3  }
0x37: {  	[smem:$0x3FBA] =	sst s10  }
0x38: {  	s10 =	sld [smem:$0x3FBB]  }
0x39: {  	_ = 	snop;
	(pc) =	sbr.ind lr, $3  }
0x3a: {  	_ = 	snop  }
0x3b: {  	_ = 	snop  }
0x3c: {  	p2 =	seq.s32 s10, $0x1;
	s10 =	sld [smem:$0x3FBA]  }
0x3d: {  	_ =	shalt  }
0x3e: {  	_ =	shalt  }
0x3f: {  	_ =	shalt  }
0x40: {  	_ =	shalt  }
0x41: {  	_ =	shalt  }
0x42: {  	_ =	shalt  }
0x43: {  	_ =	shalt  }
0x44: {  	_ =	shalt  }
0x45: {  	_ =	shalt  }
0x46: {  	_ =	shalt  }
0x47: {  	_ =	shalt  }
0x48: {  	_ =	shalt  }
0x49: {  	_ =	shalt  }
0x4a: {  	_ =	shalt  }
0x4b: {  	_ =	shalt  }
0x4c: {  	_ =	shalt  }
0x4d: {  	_ =	shalt  }
0x4e: {  	_ =	shalt  }
0x4f: {  	_ =	shalt  }
0x50: {  	_ =	shalt  }
0x51: {  	_ =	shalt  }
0x52: {  	_ =	shalt  }
0x53: {  	_ =	shalt  }
0x54: {  	_ =	shalt  }
0x55: {  	_ =	shalt  }
0x56: {  	_ =	shalt  }
0x57: {  	_ =	shalt  }
0x58: {  	_ =	shalt  }
0x59: {  	_ =	shalt  }
0x5a: {  	_ =	shalt  }
0x5b: {  	_ =	shalt  }
0x5c: {  	_ =	shalt  }
0x5d: {  	_ =	shalt  }
0x5e: {  	_ =	shalt  }
0x5f: {  	_ =	shalt  }
0x60: {  	_ =	shalt  }
0x61: {  	_ =	shalt  }
0x62: {  	_ =	shalt  }
0x63: {  	_ =	shalt  }
0x64: {  	_ =	shalt  }
0x65: {  	_ =	shalt  }
0x66: {  	_ =	shalt  }
0x67: {  	_ =	shalt  }
0x68: {  	_ =	shalt  }
0x69: {  	_ =	shalt  }
0x6a: {  	_ =	shalt  }
0x6b: {  	_ =	shalt  }
0x6c: {  	_ =	shalt  }
0x6d: {  	_ =	shalt  }
0x6e: {  	_ =	shalt  }
0x6f: {  	_ =	shalt  }
0x70: {  	_ =	shalt  }
0x71: {  	_ =	shalt  }
0x72: {  	_ =	shalt  }
0x73: {  	_ =	shalt  }
0x74: {  	_ =	shalt  }
0x75: {  	_ =	shalt  }
0x76: {  	_ =	shalt  }
0x77: {  	_ =	shalt  }
0x78: {  	_ =	shalt  }
0x79: {  	_ =	shalt  }
0x7a: {  	_ =	shalt  }
0x7b: {  	_ =	shalt  }
0x7c: {  	_ =	shalt  }
0x7d: {  	_ =	shalt  }
0x7e: {  	_ =	shalt  }
0x7f: {  	_ =	shalt  }
0x80: {  	_ =	shalt  }
0x81: {  	_ =	shalt  }
0x82: {  	_ =	shalt  }
0x83: {  	_ =	shalt  }
0x84: {  	_ =	shalt  }
0x85: {  	_ =	shalt  }
0x86: {  	_ =	shalt  }
0x87: {  	_ =	shalt  }
.Lfunc_end0:
.L_simem_size_0:
called_computation_lowered:
.L_overlay_start_0:
0x88: {  	s2 =	sld [smem:$0x3FD9]  }
0x89: {  	s3 =	sld [smem:$0x3FFE];
	_ =	sdelay $0x1  }
0x8a: {  	s1 =	srdreg.scid  }
0x8b: {  	s0 =	sand.u32 $0x1, s1  }
0x8c: {  	s18 =	sshll.u32 s0, $0xA;
	s2 =	sadd.s32 s3, s2  }
0x8d: {  	s2 =	sadd.s32 s2, s18  }
0x8e: {  	[smem:$0x3FC6] =	sst s2  }
0x8f: {  	_ = 	snop  }
0x90: {  	s2 =	sld [smem:$0x3FC9]  }
0x91: {  	s19 =	sld [smem:$0x3FC8]  }
0x92: {  	s4 =	sld [smem:$0x3FD0];
	(tm) =	ssettm $0x1  }
0x93: {  	s5 =	sld [smem:$0x3FFB];
	_ =	sdelay $0x3  }
0x94: {  	_ =	strace s5  }
0x95: {  	s5 =	sld [smem:$0x3FFC];
	_ =	sdelay $0x3  }
0x96: {  	_ =	strace s5  }
0x97: {  	s5 =	sld [smem:$0x3FFD];
	_ =	sdelay $0x3  }
0x98: {  	_ =	strace s5  }
0x99: {  	_ =	strace $0x8FFFFFFF  }
0x9a: {  	s20 =	sld [smem:$0x3FDB];
	_ =	sdelay $0x1  }
0x9b: {  	s6 =	simm.s32 $_scs_section_size  }
0x9c: {  	s7 =	simm.s32 $_size__tile_overlayer_lowered;
	s8 =	simm.s32 $_tile_overlayer_lowered  }
0x9d: {  	s23 =	simm.s32 $0x1BFF;
	s22 =	sshll.u32 s8, $0x1;
	s5 =	sadd.s32 s6, s20  }
0x9e: {  	s9 =	simm.s32 $0x0;
	s21 =	sshll.u32 s7, $0x1;
	s7 =	sadd.s32 s22, s5  }
0x9f: {  	[timem:s9], [sflag:s23] =	dma.local [hbm:s7], s21  }
0xa0: {  	_ =	swait.ge [sflag:s23], s21  }
0xa1: {  	s6 =	ssub.s32 $0x0, s21;
	[sflag:s23] =	ssyncset.done $0x0  }
0xa2: {  	[sflag:s23] =	ssyncadd.s32 s6;
	_ =	sdelay $0x1  }
0xa3: {  	s24 =	simm.s32 $0x1B8B  }
0xa4: {  	_ =	swait.ge [sflag:s24], $0x1  }
0xa5: {  	[sflag:s24] =	ssyncset.done $0x0  }
0xa6: {  	s25 =	simm.s32 $0x1B8E;
	[sflag:s24] =	ssyncadd.s32 $0xFFFFFFFF  }
0xa7: {  	s26 =	simm.s32 $execute0_lowered;
	[smem:$0x3FD2] =	sst s25  }
0xa8: {  	s6 =	sshll.u32 s26, $0x1;
	_ =	strace $0x80000046;
	[dreg:$0x1] =	wrdreg $0xFFFFFFFF  }
0xa9: {  	s28 =	simm.s32 $_size_execute0_lowered;
	s5 =	sadd.s32 s5, s6;
	[dreg:$0x0] =	wrdreg $0x0  }
0xaa: {  	s6 =	sshll.u32 s28, $0x1;
	[dreg:$0x2] =	wrdreg s5  }
0xab: {  	[dreg:$0x3] =	wrdreg s6  }
0xac: {  	[dreg:$0x4] =	wrdreg $0xC0  }
0xad: {  	_ =	task [dreg:s9], $0x5FFFF  }
0xae: {  	[dreg:$0x1] =	wrdreg $0xFFFFFFFF  }
0xaf: {  	[dreg:$0x0] =	wrdreg $0x60  }
0xb0: {  	[dreg:$0x2] =	wrdreg s2  }
0xb1: {  	[dreg:$0x3] =	wrdreg s19  }
0xb2: {  	[dreg:$0x4] =	wrdreg s4  }
0xb3: {  	[dreg:$0x5] =	wrdreg $0x9  }
0xb4: {  	_ =	task.clear_ibuf [dreg:s9], $0x6FFFF;
	_ =	strace $0x90000046  }
0xb5: {  	s29 =	simm.s32 $0x9;
	_ =	strace $0x80000048  }
0xb6: {  	_ =	swait.ge [sflag:s29], $0x1  }
0xb7: {  	[sflag:s29] =	ssyncadd.s32 $0xFFFFFFFF  }
0xb8: {  	_ =	strace $0x90000048  }
0xb9: {  	_ =	sfence  }
0xba: {  	s30 =	sld [smem:$0x0];
	_ =	sdelay $0x2  }
0xbb: {  	s31 =	sshll.u32 s1, $0xD;
	s1 =	sshrl.u32 s1, $0x2  }
0xbc: {  	s3 =	sand.u32 $0x4000, s31;
	s1 =	sadd.s32 s1, s30  }
0xbd: {  	s0 =	sor.u32 s3, s0;
	s1 =	sshll.u32 s1, $0x11  }
0xbe: {  	s0 =	sor.u32 s1, s0  }
0xbf: {  	s0 =	sadd.s32 $0x8F2B, s0  }
0xc0: {  	[sflag:s0] =	ssyncadd.remote.s32 $0x1  }
0xc1: {  	_ =	sfence.sel $0xFFFF  }
0xc2: {  	[dreg:$0x0] =	wrdreg $0xFFFFFFFF;
	(pc) =	sbr.abs _section_cstart, $3  }
0xc3: {  	[dreg:$0x1] =	wrdreg $0xFFFFFFFF  }
0xc4: {  	_ =	task.clear_ibuf [dreg:s9], $0x2FFFF;
	_ =	strace $0x9FFFFFFF  }
0xc5: {  	(tm) =	ssettm $0x7FFFFFFF  }
tec
execute0_lowered:
.L_overlay_start_1:
0x0: {  	(tag) =	ssettag $0x1  }
0x1: {  	s1 =	rddreg [dreg:$0x0]  }
0x2: {  	s2 =	rddreg [dreg:$0x1]  }
0x3: {  	s7 =	rddreg [dreg:$0x2];
	s0 =	srdreg.scid;
	s6 =	simm.s32 $0x0  }
0x4: {  	s4 =	stileid.u32;
	s28 =	simm.s32 $0x2;
	s29 =	simm.s32 $0x12000  }
0x5: {  	s30 =	simm.s32 $0x3;
	s31 =	simm.s32 $0x14000;
	s8 =	simm.s32 $0x16000  }
0x6: {  	s10 =	simm.s32 $0x0;
	s0 =	sand.u32 $0x1, s0;
	s5 =	sshll.u32 s4, $0x8  }
0x7: {  	[smem:$0x7FF] =	sst s6;
	s3 =	ssub.s32 $0x2, s0;
	s0 =	sshll.u32 s0, $0x7  }
0x8: {  	_ =	strace $0x80000047;
	s15 =	sshrl.u32 s3, $0x1;
	s0 =	sor.u32 s0, s5  }
0x9: {  	s5 =	simm.s32 $0x10000;
	s3 =	ssub.s32 s3, s15;
	s6 =	sshll.u32 s0, $0x9  }
0xa: {  	s15 =	sshrl.u32 s0, $0x3;
	s0 =	smov.u32 s7;
	s16 =	sadd.s32 s1, s6  }
0xb: {  	s17 =	sadd.s32 s2, s6;
	s18 =	sor.u32 $0x20, s6;
	[dreg:$0x4] =	wrdreg s16  }
0xc: {  	s21 =	sor.u32 $0x40, s6;
	s3 =	smax.u32 s3, $0x1;
	[dreg:$0x5] =	wrdreg s17  }
0xd: {  	s24 =	sor.u32 $0x60, s6;
	s19 =	sadd.s32 s1, s18;
	[dreg:$0xc] =	wrdreg s3  }
0xe: {  	s20 =	sadd.s32 s2, s18;
	s22 =	sadd.s32 s1, s21;
	[dreg:$0x6] =	wrdreg s19  }
0xf: {  	s23 =	sadd.s32 s2, s21;
	s25 =	sadd.s32 s1, s24;
	[dreg:$0x7] =	wrdreg s20  }
0x10: {  	s26 =	sadd.s32 s2, s24;
	s16 =	sor.u32 $0x1000, s6;
	[dreg:$0x8] =	wrdreg s22  }
.Ltmp0:
0x11: {  	s17 =	sadd.s32 $0x20, s7;
	[dreg:$0x9] =	wrdreg s23;
	(pc) =	sbr.rel .LBB2_1-.Ltmp0, $4  }
0x12: {  	s18 =	sor.u32 $0x1020, s6;
	s21 =	sadd.s32 $0x60, s7;
	[dreg:$0xa] =	wrdreg s25  }
0x13: {  	s24 =	simm.s32 $0x100;
	s3 =	simm.s32 $0xE000;
	[dreg:$0xb] =	wrdreg s26  }
0x14: {  	s19 =	sadd.s32 $0x40, s7;
	s20 =	sor.u32 $0x1040, s6;
	s22 =	sor.u32 $0x1060, s6  }
0x15: {  	s25 =	simm.s32 $0x400;
	s26 =	simm.s32 $0x1;
	s7 =	simm.s32 $0x4  }
.LBB2_20:
0x16: {  	s4 =	simm.s32 $0x5  }
0x17: {  	_ =	swait.ge [sflag:s4], $0x2000  }
0x18: {  	[sflag:s4] =	ssyncset.done $0x0  }
0x19: {  	s13 =	simm.s32 $0x6;
	[sflag:s4] =	ssyncadd.s32 $0xFFFFE000  }
0x1a: {  	_ =	swait.ge [sflag:s13], $0x2000  }
0x1b: {  	[sflag:s13] =	ssyncset.done $0x0  }
0x1c: {  	s14 =	simm.s32 $0x7;
	[sflag:s13] =	ssyncadd.s32 $0xFFFFE000  }
0x1d: {  	_ =	swait.ge [sflag:s14], $0x2000  }
0x1e: {  	[sflag:s14] =	ssyncset.done $0x0  }
0x1f: {  	s9 =	simm.s32 $0x8;
	[sflag:s14] =	ssyncadd.s32 $0xFFFFE000  }
0x20: {  	_ =	swait.ge [sflag:s9], $0x2000  }
0x21: {  	s10 =	rddreg [dreg:$0xd]  }
0x22: {  	s23 =	rddreg [dreg:$0xc];
	s10 =	sadd.s32 $0x1, s10  }
0x23: {  	p0 =	sne.s32 s10, s23  }
.Ltmp1:
0x24: {  	_ = 	snop;
	(pc) =	sbr.rel @!p0 .LBB2_21-.Ltmp1, $3  }
0x25: {  	_ =	sdelay $0x1  }
0x26: {  	[sflag:s9] =	ssyncset.done $0x0  }
0x27: {  	[sflag:s9] =	ssyncadd.s32 $0xFFFFE000  }
.LBB2_1:
0x28: {  	[dreg:$0xd] =	wrdreg s10  }
0x29: {  	s4 =	simm.s32 $0x0;
	s9 =	rddreg [dreg:$0x4]  }
0x2a: {  	[tilespmem:s4], [sflag:$0x1] =	stream.strided.gather [hbm4b:s9+s24], $0x2000, s25, s24, $0x38;
	[tilespmem:$0x18000] =	vst v63  }
0x2b: {  	s10 =	rddreg [dreg:$0x5];
	s11 =	simm.s32 $0x8000  }
0x2c: {  	[tilespmem:s11], [sflag:$0x1] =	stream.strided.gather [hbm4b:s10+s24], $0x2000, s25, s24, $0x38;
	[tilespmem:$0x18000] =	vst v63  }
0x2d: {  	s12 =	rddreg [dreg:$0x6];
	s13 =	simm.s32 $0x2000  }
0x2e: {  	[tilespmem:s13], [sflag:$0x2] =	stream.strided.gather [hbm4b:s12+s24], $0x2000, s25, s24, $0x38;
	[tilespmem:$0x18000] =	vst v63  }
0x2f: {  	s14 =	rddreg [dreg:$0x7];
	s23 =	simm.s32 $0xA000  }
0x30: {  	[tilespmem:s23], [sflag:$0x2] =	stream.strided.gather [hbm4b:s14+s24], $0x2000, s25, s24, $0x38;
	[tilespmem:$0x18000] =	vst v63  }
0x31: {  	s9 =	rddreg [dreg:$0x8];
	s10 =	simm.s32 $0x4000  }
0x32: {  	[tilespmem:s10], [sflag:$0x3] =	stream.strided.gather [hbm4b:s9+s24], $0x2000, s25, s24, $0x38;
	[tilespmem:$0x18000] =	vst v63  }
0x33: {  	s11 =	rddreg [dreg:$0x9];
	s12 =	simm.s32 $0xC000  }
0x34: {  	[tilespmem:s12], [sflag:$0x3] =	stream.strided.gather [hbm4b:s11+s24], $0x2000, s25, s24, $0x38;
	[tilespmem:$0x18000] =	vst v63  }
0x35: {  	s13 =	rddreg [dreg:$0xa];
	s14 =	simm.s32 $0x6000  }
0x36: {  	[tilespmem:s14], [sflag:$0x4] =	stream.strided.gather [hbm4b:s13+s24], $0x2000, s25, s24, $0x38;
	[tilespmem:$0x18000] =	vst v63  }
0x37: {  	s23 =	rddreg [dreg:$0xb];
	s14 =	simm.s32 $0x0  }
0x38: {  	[tilespmem:s3], [sflag:$0x4] =	stream.strided.gather [hbm4b:s23+s24], $0x2000, s25, s24, $0x38;
	[tilespmem:$0x18000] =	vst v63  }
.LBB2_2:
0x39: {  	_ =	swait.ge [sflag:s26], $0x2000  }
0x3a: {  	[sflag:s26] =	ssyncset.done $0x0  }
0x3b: {  	[sflag:s26] =	ssyncadd.s32 $0xFFFFE000  }
0x3c: {  	_ =	swait.ge [sflag:s26], $0x2000  }
0x3d: {  	p0 =	seq.s32 s14, $0x0;
	[sflag:s26] =	ssyncset.done $0x0  }
0x3e: {  	s9 =	simm.s32 @!p0 $0x5;
	[sflag:s26] =	ssyncadd.s32 $0xFFFFE000  }
0x3f: {  	_ =	swait.ge @!p0 [sflag:s9], $0x2000  }
0x40: {  	[sflag:s9] =	ssyncset.done @!p0 $0x0  }
0x41: {  	[sflag:s9] =	ssyncadd.s32 @!p0 $0xFFFFE000;
	s9 =	simm.s32 $0x0  }
0x42: {  	v0 =	vld [tilespmem:s9+$0x70]  }
0x43: {  	v1 =	vld [tilespmem:s9+$0x8070]  }
0x44: {  	v2 =	vld [tilespmem:s9+$0x0]  }
0x45: {  	v3 =	vld [tilespmem:s9+$0x8000]  }
0x46: {  	v4 =	vld [tilespmem:s9+$0x10]  }
0x47: {  	v5 =	vld [tilespmem:s9+$0x8010]  }
0x48: {  	v6 =	vld [tilespmem:s9+$0x20]  }
0x49: {  	v7 =	vld [tilespmem:s9+$0x30]  }
0x4a: {  	v0 =	vadd.f32 v1, v0;
	v1 =	vld [tilespmem:s9+$0x8020]  }
0x4b: {  	v8 =	vld [tilespmem:s9+$0x8030]  }
0x4c: {  	v9 =	vld [tilespmem:s9+$0x8040];
	v2 =	vadd.f32 v3, v2  }
0x4d: {  	[tilespmem:s9+$0x10070] =	vst v0;
	v0 =	vadd.f32 v5, v4;
	v5 =	vld [tilespmem:s9+$0x40]  }
0x4e: {  	v3 =	vld [tilespmem:s9+$0x8050];
	[tilespmem:s9+$0x10000] =	vst v2  }
0x4f: {  	v2 =	vld [tilespmem:s9+$0x50];
	[tilespmem:s9+$0x10010] =	vst v0;
	v0 =	vadd.f32 v1, v6  }
0x50: {  	v4 =	vld [tilespmem:s9+$0x8060];
	v6 =	vadd.f32 v8, v7  }
0x51: {  	s10 =	simm.s32 $0x100;
	[tilespmem:s9+$0x10020] =	vst v0;
	v0 =	vld [tilespmem:s9+$0x60]  }
0x52: {  	s23 =	sshll.u32 s14, $0xC;
	s12 =	simm.s32 $0x800;
	s11 =	simm.s32 $0x0;
	v5 =	vadd.f32 v9, v5;
	v1 =	vld [tilespmem:s10+$0x70];
	[tilespmem:s9+$0x10030] =	vst v6  }
.LBB2_3:
0x53: {  	p1 =	sne.s32 s12, $0x7C00;
	v6 =	vld [tilespmem:s10+$0x8070]  }
0x54: {  	v7 =	vld [tilespmem:s10+$0x0];
	[tilespmem:s11+$0x10040] =	vst v5;
	v2 =	vadd.f32 v3, v2  }
0x55: {  	v3 =	vld [tilespmem:s10+$0x8000]  }
0x56: {  	v5 =	vld [tilespmem:s10+$0x10];
	[tilespmem:s11+$0x10050] =	vst v2;
	v0 =	vadd.f32 v4, v0  }
0x57: {  	v2 =	vld [tilespmem:s10+$0x8010]  }
0x58: {  	v4 =	vld [tilespmem:s10+$0x20];
	v1 =	vadd.f32 v6, v1;
	[tilespmem:s11+$0x10060] =	vst v0;
	s11 =	smov.u32 s10  }
0x59: {  	v0 =	vld [tilespmem:s11+$0x8020]  }
0x5a: {  	v3 =	vadd.f32 v3, v7;
	v6 =	vld [tilespmem:s11+$0x30];
	[tilespmem:s11+$0x10070] =	vst v1  }
0x5b: {  	v1 =	vld [tilespmem:s11+$0x8030]  }
0x5c: {  	[tilespmem:s11+$0x10000] =	vst v3;
	v2 =	vadd.f32 v2, v5;
	v5 =	vld [tilespmem:s11+$0x40]  }
0x5d: {  	v7 =	vld [tilespmem:s11+$0x8040]  }
.Ltmp2:
0x5e: {  	[tilespmem:s11+$0x10010] =	vst v2;
	v0 =	vadd.f32 v0, v4;
	v2 =	vld [tilespmem:s11+$0x50];
	(pc) =	sbr.rel @p1 .LBB2_3-.Ltmp2, $4  }
0x5f: {  	v3 =	vld [tilespmem:s11+$0x8050]  }
0x60: {  	[tilespmem:s11+$0x10020] =	vst v0;
	v6 =	vadd.f32 v1, v6;
	v0 =	vld [tilespmem:s11+$0x60]  }
0x61: {  	s10 =	sshra.s32 s12, $0x2;
	v4 =	vld [tilespmem:s11+$0x8060]  }
0x62: {  	s12 =	sadd.s32 $0x400, s12;
	v1 =	vld [tilespmem:s10+$0x70];
	[tilespmem:s11+$0x10030] =	vst v6;
	v5 =	vadd.f32 v7, v5  }
0x63: {  	v6 =	vld [tilespmem:s10+$0x8070]  }
0x64: {  	v7 =	vld [tilespmem:s10+$0x0];
	[tilespmem:s11+$0x10040] =	vst v5;
	v2 =	vadd.f32 v3, v2  }
0x65: {  	v3 =	vld [tilespmem:s10+$0x8000]  }
0x66: {  	v5 =	vld [tilespmem:s10+$0x10];
	[tilespmem:s11+$0x10050] =	vst v2;
	v0 =	vadd.f32 v4, v0  }
0x67: {  	v2 =	vld [tilespmem:s10+$0x8010]  }
0x68: {  	v4 =	vld [tilespmem:s10+$0x20];
	[tilespmem:s11+$0x10060] =	vst v0  }
0x69: {  	v0 =	vadd.f32 v6, v1;
	v1 =	vld [tilespmem:s10+$0x8020]  }
0x6a: {  	v6 =	vld [tilespmem:s10+$0x30]  }
0x6b: {  	v3 =	vadd.f32 v3, v7;
	[tilespmem:s10+$0x10070] =	vst v0;
	v0 =	vld [tilespmem:s10+$0x8030]  }
0x6c: {  	v7 =	vld [tilespmem:s10+$0x8060]  }
0x6d: {  	[tilespmem:s10+$0x10000] =	vst v3;
	v2 =	vadd.f32 v2, v5;
	v3 =	vld [tilespmem:s10+$0x40]  }
0x6e: {  	v5 =	vld [tilespmem:s10+$0x8040]  }
0x6f: {  	[tilespmem:s10+$0x10010] =	vst v2;
	v1 =	vadd.f32 v1, v4;
	v2 =	vld [tilespmem:s10+$0x50]  }
0x70: {  	v4 =	vld [tilespmem:s10+$0x8050]  }
0x71: {  	[tilespmem:s10+$0x10020] =	vst v1;
	v1 =	vld [tilespmem:s10+$0x60];
	_ =	sdelay $0x1  }
0x72: {  	v0 =	vadd.f32 v0, v6  }
0x73: {  	v3 =	vadd.f32 v5, v3  }
0x74: {  	[tilespmem:s10+$0x10030] =	vst v0;
	v0 =	vadd.f32 v4, v2  }
0x75: {  	[tilespmem:s10+$0x10040] =	vst v3;
	v1 =	vadd.f32 v7, v1  }
0x76: {  	[tilespmem:s10+$0x10050] =	vst v0  }
0x77: {  	[tilespmem:s10+$0x10060] =	vst v1  }
0x78: {  	v0 =	vld [tilespmem:s9+$0xF0]  }
0x79: {  	v1 =	vld [tilespmem:s9+$0x80F0]  }
0x7a: {  	v2 =	vld [tilespmem:s9+$0x80]  }
0x7b: {  	v3 =	vld [tilespmem:s9+$0x8080]  }
0x7c: {  	v4 =	vld [tilespmem:s9+$0x90]  }
0x7d: {  	v5 =	vld [tilespmem:s9+$0x8090]  }
0x7e: {  	v6 =	vld [tilespmem:s9+$0xA0]  }
0x7f: {  	v7 =	vld [tilespmem:s9+$0xB0]  }
0x80: {  	v0 =	vadd.f32 v1, v0;
	v1 =	vld [tilespmem:s9+$0x80A0]  }
0x81: {  	v8 =	vld [tilespmem:s9+$0x80B0]  }
0x82: {  	v9 =	vld [tilespmem:s9+$0x80C0];
	v2 =	vadd.f32 v3, v2  }
0x83: {  	[tilespmem:s9+$0x100F0] =	vst v0;
	v0 =	vadd.f32 v5, v4;
	v5 =	vld [tilespmem:s9+$0xC0]  }
0x84: {  	v3 =	vld [tilespmem:s9+$0x80D0];
	[tilespmem:s9+$0x10080] =	vst v2  }
0x85: {  	v2 =	vld [tilespmem:s9+$0xD0];
	[tilespmem:s9+$0x10090] =	vst v0;
	v0 =	vadd.f32 v1, v6  }
0x86: {  	v4 =	vld [tilespmem:s9+$0x80E0];
	v6 =	vadd.f32 v8, v7  }
0x87: {  	s10 =	simm.s32 $0x100;
	[tilespmem:s9+$0x100A0] =	vst v0;
	v0 =	vld [tilespmem:s9+$0xE0]  }
0x88: {  	s11 =	simm.s32 $0x800;
	v5 =	vadd.f32 v9, v5;
	v1 =	vld [tilespmem:s10+$0xF0];
	[tilespmem:s9+$0x100B0] =	vst v6  }
.LBB2_5:
0x89: {  	p1 =	sne.s32 s11, $0x7C00;
	v6 =	vld [tilespmem:s10+$0x80F0]  }
0x8a: {  	v7 =	vld [tilespmem:s10+$0x80];
	[tilespmem:s9+$0x100C0] =	vst v5;
	v2 =	vadd.f32 v3, v2  }
0x8b: {  	v3 =	vld [tilespmem:s10+$0x8080]  }
0x8c: {  	v5 =	vld [tilespmem:s10+$0x90];
	[tilespmem:s9+$0x100D0] =	vst v2;
	v0 =	vadd.f32 v4, v0  }
0x8d: {  	v2 =	vld [tilespmem:s10+$0x8090]  }
0x8e: {  	v4 =	vld [tilespmem:s10+$0xA0];
	v1 =	vadd.f32 v6, v1;
	[tilespmem:s9+$0x100E0] =	vst v0;
	s9 =	smov.u32 s10  }
0x8f: {  	v0 =	vld [tilespmem:s9+$0x80A0]  }
0x90: {  	v3 =	vadd.f32 v3, v7;
	v6 =	vld [tilespmem:s9+$0xB0];
	[tilespmem:s9+$0x100F0] =	vst v1  }
0x91: {  	v1 =	vld [tilespmem:s9+$0x80B0]  }
0x92: {  	[tilespmem:s9+$0x10080] =	vst v3;
	v2 =	vadd.f32 v2, v5;
	v5 =	vld [tilespmem:s9+$0xC0]  }
0x93: {  	v7 =	vld [tilespmem:s9+$0x80C0]  }
.Ltmp3:
0x94: {  	[tilespmem:s9+$0x10090] =	vst v2;
	v0 =	vadd.f32 v0, v4;
	v2 =	vld [tilespmem:s9+$0xD0];
	(pc) =	sbr.rel @p1 .LBB2_5-.Ltmp3, $4  }
0x95: {  	v3 =	vld [tilespmem:s9+$0x80D0]  }
0x96: {  	[tilespmem:s9+$0x100A0] =	vst v0;
	v6 =	vadd.f32 v1, v6;
	v0 =	vld [tilespmem:s9+$0xE0]  }
0x97: {  	s10 =	sshra.s32 s11, $0x2;
	v4 =	vld [tilespmem:s9+$0x80E0]  }
0x98: {  	s11 =	sadd.s32 $0x400, s11;
	v1 =	vld [tilespmem:s10+$0xF0];
	[tilespmem:s9+$0x100B0] =	vst v6;
	v5 =	vadd.f32 v7, v5  }
0x99: {  	v6 =	vld [tilespmem:s10+$0x80F0]  }
0x9a: {  	v7 =	vld [tilespmem:s10+$0x80];
	[tilespmem:s9+$0x100C0] =	vst v5;
	v2 =	vadd.f32 v3, v2  }
0x9b: {  	v3 =	vld [tilespmem:s10+$0x8080]  }
0x9c: {  	v5 =	vld [tilespmem:s10+$0x90];
	[tilespmem:s9+$0x100D0] =	vst v2;
	v0 =	vadd.f32 v4, v0  }
0x9d: {  	v2 =	vld [tilespmem:s10+$0x8090]  }
0x9e: {  	v4 =	vld [tilespmem:s10+$0xA0];
	[tilespmem:s9+$0x100E0] =	vst v0  }
0x9f: {  	v0 =	vadd.f32 v6, v1;
	v1 =	vld [tilespmem:s10+$0x80A0]  }
0xa0: {  	v6 =	vld [tilespmem:s10+$0xB0]  }
0xa1: {  	v3 =	vadd.f32 v3, v7;
	[tilespmem:s10+$0x100F0] =	vst v0;
	v0 =	vld [tilespmem:s10+$0x80B0]  }
0xa2: {  	v7 =	vld [tilespmem:s10+$0x80E0]  }
0xa3: {  	[tilespmem:s10+$0x10080] =	vst v3;
	v2 =	vadd.f32 v2, v5;
	v3 =	vld [tilespmem:s10+$0xC0]  }
0xa4: {  	v5 =	vld [tilespmem:s10+$0x80C0]  }
0xa5: {  	[tilespmem:s10+$0x10090] =	vst v2;
	v1 =	vadd.f32 v1, v4;
	v2 =	vld [tilespmem:s10+$0xD0]  }
0xa6: {  	v4 =	vld [tilespmem:s10+$0x80D0]  }
0xa7: {  	[tilespmem:s10+$0x100A0] =	vst v1;
	v1 =	vld [tilespmem:s10+$0xE0];
	_ =	sdelay $0x1  }
0xa8: {  	v0 =	vadd.f32 v0, v6  }
0xa9: {  	v3 =	vadd.f32 v5, v3  }
0xaa: {  	[tilespmem:s10+$0x100B0] =	vst v0;
	v0 =	vadd.f32 v4, v2  }
0xab: {  	s13 =	sadd.s32 s15, s14;
	[tilespmem:s10+$0x100C0] =	vst v3;
	v1 =	vadd.f32 v7, v1  }
0xac: {  	s9 =	sshll.u32 s13, $0xC;
	[tilespmem:s10+$0x100D0] =	vst v0  }
0xad: {  	p1 =	seq.s32 s14, $0xF;
	s9 =	sadd.s32 s0, s9;
	[tilespmem:s10+$0x100E0] =	vst v1  }
0xae: {  	[hbm4b:s9+s24] =	stream.strided.scatter [tilespmem:s5], [sflag:$0x5], $0x2000, s25, s24, $0x38;
	[tilespmem:$0x18000] =	vst v63  }
0xaf: {  	s11 =	simm.s32 @!p1 $0x100;
	s9 =	sadd.s32 @!p1 s23, s16  }
0xb0: {  	s12 =	simm.s32 @!p1 $0x400;
	s13 =	simm.s32 @!p1 $0x0;
	s10 =	sadd.s32 @!p1 s1, s9  }
0xb1: {  	[tilespmem:s13], [sflag:$0x1] =	stream.strided.gather @!p1 [hbm4b:s10+s11], $0x2000, s12, s11, $0x38;
	[tilespmem:$0x18000] =	vst v63  }
0xb2: {  	s9 =	sadd.s32 @!p1 s2, s9;
	s10 =	simm.s32 @!p1 $0x8000  }
0xb3: {  	[tilespmem:s10], [sflag:$0x1] =	stream.strided.gather @!p1 [hbm4b:s9+s11], $0x2000, s12, s11, $0x38;
	[tilespmem:$0x18000] =	vst v63  }
0xb4: {  	_ =	swait.ge [sflag:s28], $0x2000  }
0xb5: {  	[sflag:s28] =	ssyncset.done $0x0  }
0xb6: {  	[sflag:s28] =	ssyncadd.s32 $0xFFFFE000  }
0xb7: {  	_ =	swait.ge [sflag:s28], $0x2000  }
0xb8: {  	[sflag:s28] =	ssyncset.done $0x0  }
0xb9: {  	s9 =	simm.s32 @!p0 $0x6;
	[sflag:s28] =	ssyncadd.s32 $0xFFFFE000  }
0xba: {  	_ =	swait.ge @!p0 [sflag:s9], $0x2000  }
0xbb: {  	[sflag:s9] =	ssyncset.done @!p0 $0x0  }
0xbc: {  	[sflag:s9] =	ssyncadd.s32 @!p0 $0xFFFFE000;
	s9 =	simm.s32 $0x0  }
0xbd: {  	v0 =	vld [tilespmem:s9+$0x2070]  }
0xbe: {  	v1 =	vld [tilespmem:s9+$0xA070]  }
0xbf: {  	v2 =	vld [tilespmem:s9+$0x2000]  }
0xc0: {  	v3 =	vld [tilespmem:s9+$0xA000]  }
0xc1: {  	v4 =	vld [tilespmem:s9+$0x2010]  }
0xc2: {  	v5 =	vld [tilespmem:s9+$0xA010]  }
0xc3: {  	v6 =	vld [tilespmem:s9+$0x2020]  }
0xc4: {  	v7 =	vld [tilespmem:s9+$0x2030]  }
0xc5: {  	v0 =	vadd.f32 v1, v0;
	v1 =	vld [tilespmem:s9+$0xA020]  }
0xc6: {  	v8 =	vld [tilespmem:s9+$0xA030]  }
0xc7: {  	v9 =	vld [tilespmem:s9+$0xA040];
	v2 =	vadd.f32 v3, v2  }
0xc8: {  	[tilespmem:s9+$0x12070] =	vst v0;
	v0 =	vadd.f32 v5, v4;
	v5 =	vld [tilespmem:s9+$0x2040]  }
0xc9: {  	v3 =	vld [tilespmem:s9+$0xA050];
	[tilespmem:s9+$0x12000] =	vst v2  }
0xca: {  	v2 =	vld [tilespmem:s9+$0x2050];
	[tilespmem:s9+$0x12010] =	vst v0;
	v0 =	vadd.f32 v1, v6  }
0xcb: {  	v4 =	vld [tilespmem:s9+$0xA060];
	v6 =	vadd.f32 v8, v7  }
0xcc: {  	s10 =	simm.s32 $0x100;
	[tilespmem:s9+$0x12020] =	vst v0;
	v0 =	vld [tilespmem:s9+$0x2060]  }
0xcd: {  	s12 =	simm.s32 $0x800;
	s11 =	simm.s32 $0x0;
	v5 =	vadd.f32 v9, v5;
	v1 =	vld [tilespmem:s10+$0x2070];
	[tilespmem:s9+$0x12030] =	vst v6  }
.LBB2_7:
0xce: {  	p2 =	sne.s32 s12, $0x7C00;
	v6 =	vld [tilespmem:s10+$0xA070]  }
0xcf: {  	v7 =	vld [tilespmem:s10+$0x2000];
	[tilespmem:s11+$0x12040] =	vst v5;
	v2 =	vadd.f32 v3, v2  }
0xd0: {  	v3 =	vld [tilespmem:s10+$0xA000]  }
0xd1: {  	v5 =	vld [tilespmem:s10+$0x2010];
	[tilespmem:s11+$0x12050] =	vst v2;
	v0 =	vadd.f32 v4, v0  }
0xd2: {  	v2 =	vld [tilespmem:s10+$0xA010]  }
0xd3: {  	v4 =	vld [tilespmem:s10+$0x2020];
	v1 =	vadd.f32 v6, v1;
	[tilespmem:s11+$0x12060] =	vst v0;
	s11 =	smov.u32 s10  }
0xd4: {  	v0 =	vld [tilespmem:s11+$0xA020]  }
0xd5: {  	v3 =	vadd.f32 v3, v7;
	v6 =	vld [tilespmem:s11+$0x2030];
	[tilespmem:s11+$0x12070] =	vst v1  }
0xd6: {  	v1 =	vld [tilespmem:s11+$0xA030]  }
0xd7: {  	[tilespmem:s11+$0x12000] =	vst v3;
	v2 =	vadd.f32 v2, v5;
	v5 =	vld [tilespmem:s11+$0x2040]  }
0xd8: {  	v7 =	vld [tilespmem:s11+$0xA040]  }
.Ltmp4:
0xd9: {  	[tilespmem:s11+$0x12010] =	vst v2;
	v0 =	vadd.f32 v0, v4;
	v2 =	vld [tilespmem:s11+$0x2050];
	(pc) =	sbr.rel @p2 .LBB2_7-.Ltmp4, $4  }
0xda: {  	v3 =	vld [tilespmem:s11+$0xA050]  }
0xdb: {  	[tilespmem:s11+$0x12020] =	vst v0;
	v6 =	vadd.f32 v1, v6;
	v0 =	vld [tilespmem:s11+$0x2060]  }
0xdc: {  	s10 =	sshra.s32 s12, $0x2;
	v4 =	vld [tilespmem:s11+$0xA060]  }
0xdd: {  	s12 =	sadd.s32 $0x400, s12;
	v1 =	vld [tilespmem:s10+$0x2070];
	[tilespmem:s11+$0x12030] =	vst v6;
	v5 =	vadd.f32 v7, v5  }
0xde: {  	v6 =	vld [tilespmem:s10+$0xA070]  }
0xdf: {  	v7 =	vld [tilespmem:s10+$0x2000];
	[tilespmem:s11+$0x12040] =	vst v5;
	v2 =	vadd.f32 v3, v2  }
0xe0: {  	v3 =	vld [tilespmem:s10+$0xA000]  }
0xe1: {  	v5 =	vld [tilespmem:s10+$0x2010];
	[tilespmem:s11+$0x12050] =	vst v2;
	v0 =	vadd.f32 v4, v0  }
0xe2: {  	v2 =	vld [tilespmem:s10+$0xA010]  }
0xe3: {  	v4 =	vld [tilespmem:s10+$0x2020];
	[tilespmem:s11+$0x12060] =	vst v0  }
0xe4: {  	v0 =	vadd.f32 v6, v1;
	v1 =	vld [tilespmem:s10+$0xA020]  }
0xe5: {  	v6 =	vld [tilespmem:s10+$0x2030]  }
0xe6: {  	v3 =	vadd.f32 v3, v7;
	[tilespmem:s10+$0x12070] =	vst v0;
	v0 =	vld [tilespmem:s10+$0xA030]  }
0xe7: {  	v7 =	vld [tilespmem:s10+$0xA060]  }
0xe8: {  	[tilespmem:s10+$0x12000] =	vst v3;
	v2 =	vadd.f32 v2, v5;
	v3 =	vld [tilespmem:s10+$0x2040]  }
0xe9: {  	v5 =	vld [tilespmem:s10+$0xA040]  }
0xea: {  	[tilespmem:s10+$0x12010] =	vst v2;
	v1 =	vadd.f32 v1, v4;
	v2 =	vld [tilespmem:s10+$0x2050]  }
0xeb: {  	v4 =	vld [tilespmem:s10+$0xA050]  }
0xec: {  	[tilespmem:s10+$0x12020] =	vst v1;
	v1 =	vld [tilespmem:s10+$0x2060];
	_ =	sdelay $0x1  }
0xed: {  	v0 =	vadd.f32 v0, v6  }
0xee: {  	v3 =	vadd.f32 v5, v3  }
0xef: {  	[tilespmem:s10+$0x12030] =	vst v0;
	v0 =	vadd.f32 v4, v2  }
0xf0: {  	[tilespmem:s10+$0x12040] =	vst v3;
	v1 =	vadd.f32 v7, v1  }
0xf1: {  	[tilespmem:s10+$0x12050] =	vst v0  }
0xf2: {  	[tilespmem:s10+$0x12060] =	vst v1  }
0xf3: {  	v0 =	vld [tilespmem:s9+$0x20F0]  }
0xf4: {  	v1 =	vld [tilespmem:s9+$0xA0F0]  }
0xf5: {  	v2 =	vld [tilespmem:s9+$0x2080]  }
0xf6: {  	v3 =	vld [tilespmem:s9+$0xA080]  }
0xf7: {  	v4 =	vld [tilespmem:s9+$0x2090]  }
0xf8: {  	v5 =	vld [tilespmem:s9+$0xA090]  }
0xf9: {  	v6 =	vld [tilespmem:s9+$0x20A0]  }
0xfa: {  	v7 =	vld [tilespmem:s9+$0x20B0]  }
0xfb: {  	v0 =	vadd.f32 v1, v0;
	v1 =	vld [tilespmem:s9+$0xA0A0]  }
0xfc: {  	v8 =	vld [tilespmem:s9+$0xA0B0]  }
0xfd: {  	v9 =	vld [tilespmem:s9+$0xA0C0];
	v2 =	vadd.f32 v3, v2  }
0xfe: {  	[tilespmem:s9+$0x120F0] =	vst v0;
	v0 =	vadd.f32 v5, v4;
	v5 =	vld [tilespmem:s9+$0x20C0]  }
0xff: {  	v3 =	vld [tilespmem:s9+$0xA0D0];
	[tilespmem:s9+$0x12080] =	vst v2  }
0x100: {  	v2 =	vld [tilespmem:s9+$0x20D0];
	[tilespmem:s9+$0x12090] =	vst v0;
	v0 =	vadd.f32 v1, v6  }
0x101: {  	v4 =	vld [tilespmem:s9+$0xA0E0];
	v6 =	vadd.f32 v8, v7  }
0x102: {  	s10 =	simm.s32 $0x100;
	[tilespmem:s9+$0x120A0] =	vst v0;
	v0 =	vld [tilespmem:s9+$0x20E0]  }
0x103: {  	s11 =	simm.s32 $0x800;
	v5 =	vadd.f32 v9, v5;
	v1 =	vld [tilespmem:s10+$0x20F0];
	[tilespmem:s9+$0x120B0] =	vst v6  }
.LBB2_9:
0x104: {  	p2 =	sne.s32 s11, $0x7C00;
	v6 =	vld [tilespmem:s10+$0xA0F0]  }
0x105: {  	v7 =	vld [tilespmem:s10+$0x2080];
	[tilespmem:s9+$0x120C0] =	vst v5;
	v2 =	vadd.f32 v3, v2  }
0x106: {  	v3 =	vld [tilespmem:s10+$0xA080]  }
0x107: {  	v5 =	vld [tilespmem:s10+$0x2090];
	[tilespmem:s9+$0x120D0] =	vst v2;
	v0 =	vadd.f32 v4, v0  }
0x108: {  	v2 =	vld [tilespmem:s10+$0xA090]  }
0x109: {  	v4 =	vld [tilespmem:s10+$0x20A0];
	v1 =	vadd.f32 v6, v1;
	[tilespmem:s9+$0x120E0] =	vst v0;
	s9 =	smov.u32 s10  }
0x10a: {  	v0 =	vld [tilespmem:s9+$0xA0A0]  }
0x10b: {  	v3 =	vadd.f32 v3, v7;
	v6 =	vld [tilespmem:s9+$0x20B0];
	[tilespmem:s9+$0x120F0] =	vst v1  }
0x10c: {  	v1 =	vld [tilespmem:s9+$0xA0B0]  }
0x10d: {  	[tilespmem:s9+$0x12080] =	vst v3;
	v2 =	vadd.f32 v2, v5;
	v5 =	vld [tilespmem:s9+$0x20C0]  }
0x10e: {  	v7 =	vld [tilespmem:s9+$0xA0C0]  }
.Ltmp5:
0x10f: {  	[tilespmem:s9+$0x12090] =	vst v2;
	v0 =	vadd.f32 v0, v4;
	v2 =	vld [tilespmem:s9+$0x20D0];
	(pc) =	sbr.rel @p2 .LBB2_9-.Ltmp5, $4  }
0x110: {  	v3 =	vld [tilespmem:s9+$0xA0D0]  }
0x111: {  	[tilespmem:s9+$0x120A0] =	vst v0;
	v6 =	vadd.f32 v1, v6;
	v0 =	vld [tilespmem:s9+$0x20E0]  }
0x112: {  	s10 =	sshra.s32 s11, $0x2;
	v4 =	vld [tilespmem:s9+$0xA0E0]  }
0x113: {  	s11 =	sadd.s32 $0x400, s11;
	v1 =	vld [tilespmem:s10+$0x20F0];
	[tilespmem:s9+$0x120B0] =	vst v6;
	v5 =	vadd.f32 v7, v5  }
0x114: {  	v6 =	vld [tilespmem:s10+$0xA0F0]  }
0x115: {  	v7 =	vld [tilespmem:s10+$0x2080];
	[tilespmem:s9+$0x120C0] =	vst v5;
	v2 =	vadd.f32 v3, v2  }
0x116: {  	v3 =	vld [tilespmem:s10+$0xA080]  }
0x117: {  	v5 =	vld [tilespmem:s10+$0x2090];
	[tilespmem:s9+$0x120D0] =	vst v2;
	v0 =	vadd.f32 v4, v0  }
0x118: {  	v2 =	vld [tilespmem:s10+$0xA090]  }
0x119: {  	v4 =	vld [tilespmem:s10+$0x20A0];
	[tilespmem:s9+$0x120E0] =	vst v0  }
0x11a: {  	v0 =	vadd.f32 v6, v1;
	v1 =	vld [tilespmem:s10+$0xA0A0]  }
0x11b: {  	v6 =	vld [tilespmem:s10+$0x20B0]  }
0x11c: {  	v3 =	vadd.f32 v3, v7;
	[tilespmem:s10+$0x120F0] =	vst v0;
	v0 =	vld [tilespmem:s10+$0xA0B0]  }
0x11d: {  	v7 =	vld [tilespmem:s10+$0xA0E0]  }
0x11e: {  	[tilespmem:s10+$0x12080] =	vst v3;
	v2 =	vadd.f32 v2, v5;
	v3 =	vld [tilespmem:s10+$0x20C0]  }
0x11f: {  	v5 =	vld [tilespmem:s10+$0xA0C0]  }
0x120: {  	[tilespmem:s10+$0x12090] =	vst v2;
	v1 =	vadd.f32 v1, v4;
	v2 =	vld [tilespmem:s10+$0x20D0]  }
0x121: {  	v4 =	vld [tilespmem:s10+$0xA0D0]  }
0x122: {  	[tilespmem:s10+$0x120A0] =	vst v1;
	v1 =	vld [tilespmem:s10+$0x20E0];
	_ =	sdelay $0x1  }
0x123: {  	v0 =	vadd.f32 v0, v6  }
0x124: {  	v3 =	vadd.f32 v5, v3  }
0x125: {  	[tilespmem:s10+$0x120B0] =	vst v0;
	v0 =	vadd.f32 v4, v2  }
0x126: {  	[tilespmem:s10+$0x120C0] =	vst v3;
	v1 =	vadd.f32 v7, v1  }
0x127: {  	s9 =	sor.u32 s6, s23;
	[tilespmem:s10+$0x120D0] =	vst v0  }
0x128: {  	s12 =	simm.s32 @!p1 $0x100;
	s13 =	sadd.s32 s9, s17;
	[tilespmem:s10+$0x120E0] =	vst v1;
	s10 =	sadd.s32 @!p1 s23, s18  }
0x129: {  	[hbm4b:s13+s24] =	stream.strided.scatter [tilespmem:s29], [sflag:$0x6], $0x2000, s25, s24, $0x38;
	[tilespmem:$0x18000] =	vst v63  }
0x12a: {  	s4 =	simm.s32 @!p1 $0x2000;
	s11 =	sadd.s32 @!p1 s1, s10;
	s13 =	simm.s32 @!p1 $0x400  }
0x12b: {  	[tilespmem:s4], [sflag:$0x2] =	stream.strided.gather @!p1 [hbm4b:s11+s12], $0x2000, s13, s12, $0x38;
	[tilespmem:$0x18000] =	vst v63  }
0x12c: {  	s4 =	sadd.s32 @!p1 s2, s10;
	s10 =	simm.s32 @!p1 $0xA000  }
0x12d: {  	[tilespmem:s10], [sflag:$0x2] =	stream.strided.gather @!p1 [hbm4b:s4+s12], $0x2000, s13, s12, $0x38;
	[tilespmem:$0x18000] =	vst v63  }
0x12e: {  	_ =	swait.ge [sflag:s30], $0x2000  }
0x12f: {  	[sflag:s30] =	ssyncset.done $0x0  }
0x130: {  	[sflag:s30] =	ssyncadd.s32 $0xFFFFE000  }
0x131: {  	_ =	swait.ge [sflag:s30], $0x2000  }
0x132: {  	[sflag:s30] =	ssyncset.done $0x0  }
0x133: {  	s4 =	simm.s32 @!p0 $0x7;
	[sflag:s30] =	ssyncadd.s32 $0xFFFFE000  }
0x134: {  	_ =	swait.ge @!p0 [sflag:s4], $0x2000  }
0x135: {  	[sflag:s4] =	ssyncset.done @!p0 $0x0  }
0x136: {  	s10 =	simm.s32 $0x0;
	[sflag:s4] =	ssyncadd.s32 @!p0 $0xFFFFE000  }
0x137: {  	v0 =	vld [tilespmem:s10+$0x4070]  }
0x138: {  	v1 =	vld [tilespmem:s10+$0xC070]  }
0x139: {  	v2 =	vld [tilespmem:s10+$0x4000]  }
0x13a: {  	v3 =	vld [tilespmem:s10+$0xC000]  }
0x13b: {  	v4 =	vld [tilespmem:s10+$0x4010]  }
0x13c: {  	v5 =	vld [tilespmem:s10+$0xC010]  }
0x13d: {  	v6 =	vld [tilespmem:s10+$0x4020]  }
0x13e: {  	v7 =	vld [tilespmem:s10+$0x4030]  }
0x13f: {  	v0 =	vadd.f32 v1, v0;
	v1 =	vld [tilespmem:s10+$0xC020]  }
0x140: {  	v8 =	vld [tilespmem:s10+$0xC030]  }
0x141: {  	v9 =	vld [tilespmem:s10+$0xC040];
	v2 =	vadd.f32 v3, v2  }
0x142: {  	[tilespmem:s10+$0x14070] =	vst v0;
	v0 =	vadd.f32 v5, v4;
	v5 =	vld [tilespmem:s10+$0x4040]  }
0x143: {  	v3 =	vld [tilespmem:s10+$0xC050];
	[tilespmem:s10+$0x14000] =	vst v2  }
0x144: {  	v2 =	vld [tilespmem:s10+$0x4050];
	[tilespmem:s10+$0x14010] =	vst v0;
	v0 =	vadd.f32 v1, v6  }
0x145: {  	v4 =	vld [tilespmem:s10+$0xC060];
	v6 =	vadd.f32 v8, v7  }
0x146: {  	s11 =	simm.s32 $0x100;
	[tilespmem:s10+$0x14020] =	vst v0;
	v0 =	vld [tilespmem:s10+$0x4060]  }
0x147: {  	s13 =	simm.s32 $0x800;
	s12 =	simm.s32 $0x0;
	v5 =	vadd.f32 v9, v5;
	v1 =	vld [tilespmem:s11+$0x4070];
	[tilespmem:s10+$0x14030] =	vst v6  }
.LBB2_11:
0x148: {  	p2 =	sne.s32 s13, $0x7C00;
	v6 =	vld [tilespmem:s11+$0xC070]  }
0x149: {  	v7 =	vld [tilespmem:s11+$0x4000];
	[tilespmem:s12+$0x14040] =	vst v5;
	v2 =	vadd.f32 v3, v2  }
0x14a: {  	v3 =	vld [tilespmem:s11+$0xC000]  }
0x14b: {  	v5 =	vld [tilespmem:s11+$0x4010];
	[tilespmem:s12+$0x14050] =	vst v2;
	v0 =	vadd.f32 v4, v0  }
0x14c: {  	v2 =	vld [tilespmem:s11+$0xC010]  }
0x14d: {  	v4 =	vld [tilespmem:s11+$0x4020];
	v1 =	vadd.f32 v6, v1;
	[tilespmem:s12+$0x14060] =	vst v0;
	s12 =	smov.u32 s11  }
0x14e: {  	v0 =	vld [tilespmem:s12+$0xC020]  }
0x14f: {  	v3 =	vadd.f32 v3, v7;
	v6 =	vld [tilespmem:s12+$0x4030];
	[tilespmem:s12+$0x14070] =	vst v1  }
0x150: {  	v1 =	vld [tilespmem:s12+$0xC030]  }
0x151: {  	[tilespmem:s12+$0x14000] =	vst v3;
	v2 =	vadd.f32 v2, v5;
	v5 =	vld [tilespmem:s12+$0x4040]  }
0x152: {  	v7 =	vld [tilespmem:s12+$0xC040]  }
.Ltmp6:
0x153: {  	[tilespmem:s12+$0x14010] =	vst v2;
	v0 =	vadd.f32 v0, v4;
	v2 =	vld [tilespmem:s12+$0x4050];
	(pc) =	sbr.rel @p2 .LBB2_11-.Ltmp6, $4  }
0x154: {  	v3 =	vld [tilespmem:s12+$0xC050]  }
0x155: {  	[tilespmem:s12+$0x14020] =	vst v0;
	v6 =	vadd.f32 v1, v6;
	v0 =	vld [tilespmem:s12+$0x4060]  }
0x156: {  	s11 =	sshra.s32 s13, $0x2;
	v4 =	vld [tilespmem:s12+$0xC060]  }
0x157: {  	s13 =	sadd.s32 $0x400, s13;
	v1 =	vld [tilespmem:s11+$0x4070];
	[tilespmem:s12+$0x14030] =	vst v6;
	v5 =	vadd.f32 v7, v5  }
0x158: {  	v6 =	vld [tilespmem:s11+$0xC070]  }
0x159: {  	v7 =	vld [tilespmem:s11+$0x4000];
	[tilespmem:s12+$0x14040] =	vst v5;
	v2 =	vadd.f32 v3, v2  }
0x15a: {  	v3 =	vld [tilespmem:s11+$0xC000]  }
0x15b: {  	v5 =	vld [tilespmem:s11+$0x4010];
	[tilespmem:s12+$0x14050] =	vst v2;
	v0 =	vadd.f32 v4, v0  }
0x15c: {  	v2 =	vld [tilespmem:s11+$0xC010]  }
0x15d: {  	v4 =	vld [tilespmem:s11+$0x4020];
	[tilespmem:s12+$0x14060] =	vst v0  }
0x15e: {  	v0 =	vadd.f32 v6, v1;
	v1 =	vld [tilespmem:s11+$0xC020]  }
0x15f: {  	v6 =	vld [tilespmem:s11+$0x4030]  }
0x160: {  	v3 =	vadd.f32 v3, v7;
	[tilespmem:s11+$0x14070] =	vst v0;
	v0 =	vld [tilespmem:s11+$0xC030]  }
0x161: {  	v7 =	vld [tilespmem:s11+$0xC060]  }
0x162: {  	[tilespmem:s11+$0x14000] =	vst v3;
	v2 =	vadd.f32 v2, v5;
	v3 =	vld [tilespmem:s11+$0x4040]  }
0x163: {  	v5 =	vld [tilespmem:s11+$0xC040]  }
0x164: {  	[tilespmem:s11+$0x14010] =	vst v2;
	v1 =	vadd.f32 v1, v4;
	v2 =	vld [tilespmem:s11+$0x4050]  }
0x165: {  	v4 =	vld [tilespmem:s11+$0xC050]  }
0x166: {  	[tilespmem:s11+$0x14020] =	vst v1;
	v1 =	vld [tilespmem:s11+$0x4060];
	_ =	sdelay $0x1  }
0x167: {  	v0 =	vadd.f32 v0, v6  }
0x168: {  	v3 =	vadd.f32 v5, v3  }
0x169: {  	[tilespmem:s11+$0x14030] =	vst v0;
	v0 =	vadd.f32 v4, v2  }
0x16a: {  	[tilespmem:s11+$0x14040] =	vst v3;
	v1 =	vadd.f32 v7, v1  }
0x16b: {  	[tilespmem:s11+$0x14050] =	vst v0  }
0x16c: {  	[tilespmem:s11+$0x14060] =	vst v1  }
0x16d: {  	v0 =	vld [tilespmem:s10+$0x40F0]  }
0x16e: {  	v1 =	vld [tilespmem:s10+$0xC0F0]  }
0x16f: {  	v2 =	vld [tilespmem:s10+$0x4080]  }
0x170: {  	v3 =	vld [tilespmem:s10+$0xC080]  }
0x171: {  	v4 =	vld [tilespmem:s10+$0x4090]  }
0x172: {  	v5 =	vld [tilespmem:s10+$0xC090]  }
0x173: {  	v6 =	vld [tilespmem:s10+$0x40A0]  }
0x174: {  	v7 =	vld [tilespmem:s10+$0x40B0]  }
0x175: {  	v0 =	vadd.f32 v1, v0;
	v1 =	vld [tilespmem:s10+$0xC0A0]  }
0x176: {  	v8 =	vld [tilespmem:s10+$0xC0B0]  }
0x177: {  	v9 =	vld [tilespmem:s10+$0xC0C0];
	v2 =	vadd.f32 v3, v2  }
0x178: {  	[tilespmem:s10+$0x140F0] =	vst v0;
	v0 =	vadd.f32 v5, v4;
	v5 =	vld [tilespmem:s10+$0x40C0]  }
0x179: {  	v3 =	vld [tilespmem:s10+$0xC0D0];
	[tilespmem:s10+$0x14080] =	vst v2  }
0x17a: {  	v2 =	vld [tilespmem:s10+$0x40D0];
	[tilespmem:s10+$0x14090] =	vst v0;
	v0 =	vadd.f32 v1, v6  }
0x17b: {  	v4 =	vld [tilespmem:s10+$0xC0E0];
	v6 =	vadd.f32 v8, v7  }
0x17c: {  	s11 =	simm.s32 $0x100;
	[tilespmem:s10+$0x140A0] =	vst v0;
	v0 =	vld [tilespmem:s10+$0x40E0]  }
0x17d: {  	s12 =	simm.s32 $0x800;
	v5 =	vadd.f32 v9, v5;
	v1 =	vld [tilespmem:s11+$0x40F0];
	[tilespmem:s10+$0x140B0] =	vst v6  }
.LBB2_13:
0x17e: {  	p2 =	sne.s32 s12, $0x7C00;
	v6 =	vld [tilespmem:s11+$0xC0F0]  }
0x17f: {  	v7 =	vld [tilespmem:s11+$0x4080];
	[tilespmem:s10+$0x140C0] =	vst v5;
	v2 =	vadd.f32 v3, v2  }
0x180: {  	v3 =	vld [tilespmem:s11+$0xC080]  }
0x181: {  	v5 =	vld [tilespmem:s11+$0x4090];
	[tilespmem:s10+$0x140D0] =	vst v2;
	v0 =	vadd.f32 v4, v0  }
0x182: {  	v2 =	vld [tilespmem:s11+$0xC090]  }
0x183: {  	v4 =	vld [tilespmem:s11+$0x40A0];
	v1 =	vadd.f32 v6, v1;
	[tilespmem:s10+$0x140E0] =	vst v0;
	s10 =	smov.u32 s11  }
0x184: {  	v0 =	vld [tilespmem:s10+$0xC0A0]  }
0x185: {  	v3 =	vadd.f32 v3, v7;
	v6 =	vld [tilespmem:s10+$0x40B0];
	[tilespmem:s10+$0x140F0] =	vst v1  }
0x186: {  	v1 =	vld [tilespmem:s10+$0xC0B0]  }
0x187: {  	[tilespmem:s10+$0x14080] =	vst v3;
	v2 =	vadd.f32 v2, v5;
	v5 =	vld [tilespmem:s10+$0x40C0]  }
0x188: {  	v7 =	vld [tilespmem:s10+$0xC0C0]  }
.Ltmp7:
0x189: {  	[tilespmem:s10+$0x14090] =	vst v2;
	v0 =	vadd.f32 v0, v4;
	v2 =	vld [tilespmem:s10+$0x40D0];
	(pc) =	sbr.rel @p2 .LBB2_13-.Ltmp7, $4  }
0x18a: {  	v3 =	vld [tilespmem:s10+$0xC0D0]  }
0x18b: {  	[tilespmem:s10+$0x140A0] =	vst v0;
	v6 =	vadd.f32 v1, v6;
	v0 =	vld [tilespmem:s10+$0x40E0]  }
0x18c: {  	s11 =	sshra.s32 s12, $0x2;
	v4 =	vld [tilespmem:s10+$0xC0E0]  }
0x18d: {  	s12 =	sadd.s32 $0x400, s12;
	v1 =	vld [tilespmem:s11+$0x40F0];
	[tilespmem:s10+$0x140B0] =	vst v6;
	v5 =	vadd.f32 v7, v5  }
0x18e: {  	v6 =	vld [tilespmem:s11+$0xC0F0]  }
0x18f: {  	v7 =	vld [tilespmem:s11+$0x4080];
	[tilespmem:s10+$0x140C0] =	vst v5;
	v2 =	vadd.f32 v3, v2  }
0x190: {  	v3 =	vld [tilespmem:s11+$0xC080]  }
0x191: {  	v5 =	vld [tilespmem:s11+$0x4090];
	[tilespmem:s10+$0x140D0] =	vst v2;
	v0 =	vadd.f32 v4, v0  }
0x192: {  	v2 =	vld [tilespmem:s11+$0xC090]  }
0x193: {  	v4 =	vld [tilespmem:s11+$0x40A0];
	[tilespmem:s10+$0x140E0] =	vst v0  }
0x194: {  	v0 =	vadd.f32 v6, v1;
	v1 =	vld [tilespmem:s11+$0xC0A0]  }
0x195: {  	v6 =	vld [tilespmem:s11+$0x40B0]  }
0x196: {  	v3 =	vadd.f32 v3, v7;
	[tilespmem:s11+$0x140F0] =	vst v0;
	v0 =	vld [tilespmem:s11+$0xC0B0]  }
0x197: {  	v7 =	vld [tilespmem:s11+$0xC0E0]  }
0x198: {  	[tilespmem:s11+$0x14080] =	vst v3;
	v2 =	vadd.f32 v2, v5;
	v3 =	vld [tilespmem:s11+$0x40C0]  }
0x199: {  	v5 =	vld [tilespmem:s11+$0xC0C0]  }
0x19a: {  	[tilespmem:s11+$0x14090] =	vst v2;
	v1 =	vadd.f32 v1, v4;
	v2 =	vld [tilespmem:s11+$0x40D0]  }
0x19b: {  	v4 =	vld [tilespmem:s11+$0xC0D0]  }
0x19c: {  	[tilespmem:s11+$0x140A0] =	vst v1;
	v1 =	vld [tilespmem:s11+$0x40E0];
	_ =	sdelay $0x1  }
0x19d: {  	v0 =	vadd.f32 v0, v6  }
0x19e: {  	v3 =	vadd.f32 v5, v3  }
0x19f: {  	[tilespmem:s11+$0x140B0] =	vst v0;
	v0 =	vadd.f32 v4, v2  }
0x1a0: {  	[tilespmem:s11+$0x140C0] =	vst v3;
	v1 =	vadd.f32 v7, v1  }
0x1a1: {  	[tilespmem:s11+$0x140D0] =	vst v0  }
0x1a2: {  	s4 =	sadd.s32 s9, s19;
	[tilespmem:s11+$0x140E0] =	vst v1  }
0x1a3: {  	[hbm4b:s4+s24] =	stream.strided.scatter [tilespmem:s31], [sflag:$0x7], $0x2000, s25, s24, $0x38;
	[tilespmem:$0x18000] =	vst v63  }
0x1a4: {  	s12 =	simm.s32 @!p1 $0x400;
	s4 =	sadd.s32 @!p1 s23, s20  }
0x1a5: {  	s13 =	simm.s32 @!p1 $0x4000;
	s11 =	simm.s32 @!p1 $0x100;
	s10 =	sadd.s32 @!p1 s1, s4  }
0x1a6: {  	[tilespmem:s13], [sflag:$0x3] =	stream.strided.gather @!p1 [hbm4b:s10+s11], $0x2000, s12, s11, $0x38;
	[tilespmem:$0x18000] =	vst v63  }
0x1a7: {  	s4 =	sadd.s32 @!p1 s2, s4;
	s10 =	simm.s32 @!p1 $0xC000  }
0x1a8: {  	[tilespmem:s10], [sflag:$0x3] =	stream.strided.gather @!p1 [hbm4b:s4+s11], $0x2000, s12, s11, $0x38;
	[tilespmem:$0x18000] =	vst v63  }
0x1a9: {  	_ =	swait.ge [sflag:s7], $0x2000  }
0x1aa: {  	[sflag:s7] =	ssyncset.done $0x0  }
0x1ab: {  	[sflag:s7] =	ssyncadd.s32 $0xFFFFE000  }
0x1ac: {  	_ =	swait.ge [sflag:s7], $0x2000  }
0x1ad: {  	[sflag:s7] =	ssyncset.done $0x0  }
0x1ae: {  	s4 =	simm.s32 @!p0 $0x8;
	[sflag:s7] =	ssyncadd.s32 $0xFFFFE000  }
0x1af: {  	_ =	swait.ge @!p0 [sflag:s4], $0x2000  }
0x1b0: {  	[sflag:s4] =	ssyncset.done @!p0 $0x0  }
0x1b1: {  	s10 =	simm.s32 $0x0;
	[sflag:s4] =	ssyncadd.s32 @!p0 $0xFFFFE000  }
0x1b2: {  	v0 =	vld [tilespmem:s10+$0x6070]  }
0x1b3: {  	v1 =	vld [tilespmem:s10+$0xE070]  }
0x1b4: {  	v2 =	vld [tilespmem:s10+$0x6000]  }
0x1b5: {  	v3 =	vld [tilespmem:s10+$0xE000]  }
0x1b6: {  	v4 =	vld [tilespmem:s10+$0x6010]  }
0x1b7: {  	v5 =	vld [tilespmem:s10+$0xE010]  }
0x1b8: {  	v6 =	vld [tilespmem:s10+$0x6020]  }
0x1b9: {  	v7 =	vld [tilespmem:s10+$0x6030]  }
0x1ba: {  	v0 =	vadd.f32 v1, v0;
	v1 =	vld [tilespmem:s10+$0xE020]  }
0x1bb: {  	v8 =	vld [tilespmem:s10+$0xE030]  }
0x1bc: {  	v9 =	vld [tilespmem:s10+$0xE040];
	v2 =	vadd.f32 v3, v2  }
0x1bd: {  	[tilespmem:s10+$0x16070] =	vst v0;
	v0 =	vadd.f32 v5, v4;
	v5 =	vld [tilespmem:s10+$0x6040]  }
0x1be: {  	v3 =	vld [tilespmem:s10+$0xE050];
	[tilespmem:s10+$0x16000] =	vst v2  }
0x1bf: {  	v2 =	vld [tilespmem:s10+$0x6050];
	[tilespmem:s10+$0x16010] =	vst v0;
	v0 =	vadd.f32 v1, v6  }
0x1c0: {  	v4 =	vld [tilespmem:s10+$0xE060];
	v6 =	vadd.f32 v8, v7  }
0x1c1: {  	s11 =	simm.s32 $0x100;
	[tilespmem:s10+$0x16020] =	vst v0;
	v0 =	vld [tilespmem:s10+$0x6060]  }
0x1c2: {  	s13 =	simm.s32 $0x800;
	s12 =	simm.s32 $0x0;
	v5 =	vadd.f32 v9, v5;
	v1 =	vld [tilespmem:s11+$0x6070];
	[tilespmem:s10+$0x16030] =	vst v6  }
.LBB2_15:
0x1c3: {  	p0 =	sne.s32 s13, $0x7C00;
	v6 =	vld [tilespmem:s11+$0xE070]  }
0x1c4: {  	v7 =	vld [tilespmem:s11+$0x6000];
	[tilespmem:s12+$0x16040] =	vst v5;
	v2 =	vadd.f32 v3, v2  }
0x1c5: {  	v3 =	vld [tilespmem:s11+$0xE000]  }
0x1c6: {  	v5 =	vld [tilespmem:s11+$0x6010];
	[tilespmem:s12+$0x16050] =	vst v2;
	v0 =	vadd.f32 v4, v0  }
0x1c7: {  	v2 =	vld [tilespmem:s11+$0xE010]  }
0x1c8: {  	v4 =	vld [tilespmem:s11+$0x6020];
	v1 =	vadd.f32 v6, v1;
	[tilespmem:s12+$0x16060] =	vst v0;
	s12 =	smov.u32 s11  }
0x1c9: {  	v0 =	vld [tilespmem:s12+$0xE020]  }
0x1ca: {  	v3 =	vadd.f32 v3, v7;
	v6 =	vld [tilespmem:s12+$0x6030];
	[tilespmem:s12+$0x16070] =	vst v1  }
0x1cb: {  	v1 =	vld [tilespmem:s12+$0xE030]  }
0x1cc: {  	[tilespmem:s12+$0x16000] =	vst v3;
	v2 =	vadd.f32 v2, v5;
	v5 =	vld [tilespmem:s12+$0x6040]  }
0x1cd: {  	v7 =	vld [tilespmem:s12+$0xE040]  }
.Ltmp8:
0x1ce: {  	[tilespmem:s12+$0x16010] =	vst v2;
	v0 =	vadd.f32 v0, v4;
	v2 =	vld [tilespmem:s12+$0x6050];
	(pc) =	sbr.rel @p0 .LBB2_15-.Ltmp8, $4  }
0x1cf: {  	v3 =	vld [tilespmem:s12+$0xE050]  }
0x1d0: {  	[tilespmem:s12+$0x16020] =	vst v0;
	v6 =	vadd.f32 v1, v6;
	v0 =	vld [tilespmem:s12+$0x6060]  }
0x1d1: {  	s11 =	sshra.s32 s13, $0x2;
	v4 =	vld [tilespmem:s12+$0xE060]  }
0x1d2: {  	s13 =	sadd.s32 $0x400, s13;
	v1 =	vld [tilespmem:s11+$0x6070];
	[tilespmem:s12+$0x16030] =	vst v6;
	v5 =	vadd.f32 v7, v5  }
0x1d3: {  	v6 =	vld [tilespmem:s11+$0xE070]  }
0x1d4: {  	v7 =	vld [tilespmem:s11+$0x6000];
	[tilespmem:s12+$0x16040] =	vst v5;
	v2 =	vadd.f32 v3, v2  }
0x1d5: {  	v3 =	vld [tilespmem:s11+$0xE000]  }
0x1d6: {  	v5 =	vld [tilespmem:s11+$0x6010];
	[tilespmem:s12+$0x16050] =	vst v2;
	v0 =	vadd.f32 v4, v0  }
0x1d7: {  	v2 =	vld [tilespmem:s11+$0xE010]  }
0x1d8: {  	v4 =	vld [tilespmem:s11+$0x6020];
	[tilespmem:s12+$0x16060] =	vst v0  }
0x1d9: {  	v0 =	vadd.f32 v6, v1;
	v1 =	vld [tilespmem:s11+$0xE020]  }
0x1da: {  	v6 =	vld [tilespmem:s11+$0x6030]  }
0x1db: {  	v3 =	vadd.f32 v3, v7;
	[tilespmem:s11+$0x16070] =	vst v0;
	v0 =	vld [tilespmem:s11+$0xE030]  }
0x1dc: {  	v7 =	vld [tilespmem:s11+$0xE060]  }
0x1dd: {  	[tilespmem:s11+$0x16000] =	vst v3;
	v2 =	vadd.f32 v2, v5;
	v3 =	vld [tilespmem:s11+$0x6040]  }
0x1de: {  	v5 =	vld [tilespmem:s11+$0xE040]  }
0x1df: {  	[tilespmem:s11+$0x16010] =	vst v2;
	v1 =	vadd.f32 v1, v4;
	v2 =	vld [tilespmem:s11+$0x6050]  }
0x1e0: {  	v4 =	vld [tilespmem:s11+$0xE050]  }
0x1e1: {  	[tilespmem:s11+$0x16020] =	vst v1;
	v1 =	vld [tilespmem:s11+$0x6060];
	_ =	sdelay $0x1  }
0x1e2: {  	v0 =	vadd.f32 v0, v6  }
0x1e3: {  	v3 =	vadd.f32 v5, v3  }
0x1e4: {  	[tilespmem:s11+$0x16030] =	vst v0;
	v0 =	vadd.f32 v4, v2  }
0x1e5: {  	[tilespmem:s11+$0x16040] =	vst v3;
	v1 =	vadd.f32 v7, v1  }
0x1e6: {  	[tilespmem:s11+$0x16050] =	vst v0  }
0x1e7: {  	[tilespmem:s11+$0x16060] =	vst v1  }
0x1e8: {  	v0 =	vld [tilespmem:s10+$0x60F0]  }
0x1e9: {  	v1 =	vld [tilespmem:s10+$0xE0F0]  }
0x1ea: {  	v2 =	vld [tilespmem:s10+$0x6080]  }
0x1eb: {  	v3 =	vld [tilespmem:s10+$0xE080]  }
0x1ec: {  	v4 =	vld [tilespmem:s10+$0x6090]  }
0x1ed: {  	v5 =	vld [tilespmem:s10+$0xE090]  }
0x1ee: {  	v6 =	vld [tilespmem:s10+$0x60A0]  }
0x1ef: {  	v7 =	vld [tilespmem:s10+$0x60B0]  }
0x1f0: {  	v0 =	vadd.f32 v1, v0;
	v1 =	vld [tilespmem:s10+$0xE0A0]  }
0x1f1: {  	v8 =	vld [tilespmem:s10+$0xE0B0]  }
0x1f2: {  	v9 =	vld [tilespmem:s10+$0xE0C0];
	v2 =	vadd.f32 v3, v2  }
0x1f3: {  	[tilespmem:s10+$0x160F0] =	vst v0;
	v0 =	vadd.f32 v5, v4;
	v5 =	vld [tilespmem:s10+$0x60C0]  }
0x1f4: {  	v3 =	vld [tilespmem:s10+$0xE0D0];
	[tilespmem:s10+$0x16080] =	vst v2  }
0x1f5: {  	v2 =	vld [tilespmem:s10+$0x60D0];
	[tilespmem:s10+$0x16090] =	vst v0;
	v0 =	vadd.f32 v1, v6  }
0x1f6: {  	v4 =	vld [tilespmem:s10+$0xE0E0];
	v6 =	vadd.f32 v8, v7  }
0x1f7: {  	s11 =	simm.s32 $0x100;
	[tilespmem:s10+$0x160A0] =	vst v0;
	v0 =	vld [tilespmem:s10+$0x60E0]  }
0x1f8: {  	s12 =	simm.s32 $0x800;
	v5 =	vadd.f32 v9, v5;
	v1 =	vld [tilespmem:s11+$0x60F0];
	[tilespmem:s10+$0x160B0] =	vst v6  }
.LBB2_17:
0x1f9: {  	p0 =	sne.s32 s12, $0x7C00;
	v6 =	vld [tilespmem:s11+$0xE0F0]  }
0x1fa: {  	v7 =	vld [tilespmem:s11+$0x6080];
	[tilespmem:s10+$0x160C0] =	vst v5;
	v2 =	vadd.f32 v3, v2  }
0x1fb: {  	v3 =	vld [tilespmem:s11+$0xE080]  }
0x1fc: {  	v5 =	vld [tilespmem:s11+$0x6090];
	[tilespmem:s10+$0x160D0] =	vst v2;
	v0 =	vadd.f32 v4, v0  }
0x1fd: {  	v2 =	vld [tilespmem:s11+$0xE090]  }
0x1fe: {  	v4 =	vld [tilespmem:s11+$0x60A0];
	v1 =	vadd.f32 v6, v1;
	[tilespmem:s10+$0x160E0] =	vst v0;
	s10 =	smov.u32 s11  }
0x1ff: {  	v0 =	vld [tilespmem:s10+$0xE0A0]  }
0x200: {  	v3 =	vadd.f32 v3, v7;
	v6 =	vld [tilespmem:s10+$0x60B0];
	[tilespmem:s10+$0x160F0] =	vst v1  }
0x201: {  	v1 =	vld [tilespmem:s10+$0xE0B0]  }
0x202: {  	[tilespmem:s10+$0x16080] =	vst v3;
	v2 =	vadd.f32 v2, v5;
	v5 =	vld [tilespmem:s10+$0x60C0]  }
0x203: {  	v7 =	vld [tilespmem:s10+$0xE0C0]  }
.Ltmp9:
0x204: {  	[tilespmem:s10+$0x16090] =	vst v2;
	v0 =	vadd.f32 v0, v4;
	v2 =	vld [tilespmem:s10+$0x60D0];
	(pc) =	sbr.rel @p0 .LBB2_17-.Ltmp9, $4  }
0x205: {  	v3 =	vld [tilespmem:s10+$0xE0D0]  }
0x206: {  	[tilespmem:s10+$0x160A0] =	vst v0;
	v6 =	vadd.f32 v1, v6;
	v0 =	vld [tilespmem:s10+$0x60E0]  }
0x207: {  	s11 =	sshra.s32 s12, $0x2;
	v4 =	vld [tilespmem:s10+$0xE0E0]  }
0x208: {  	s12 =	sadd.s32 $0x400, s12;
	v1 =	vld [tilespmem:s11+$0x60F0];
	[tilespmem:s10+$0x160B0] =	vst v6;
	v5 =	vadd.f32 v7, v5  }
0x209: {  	v6 =	vld [tilespmem:s11+$0xE0F0]  }
0x20a: {  	v7 =	vld [tilespmem:s11+$0x6080];
	[tilespmem:s10+$0x160C0] =	vst v5;
	v2 =	vadd.f32 v3, v2  }
0x20b: {  	v51 =	vld [tilespmem:s11+$0xE080]  }
0x20c: {  	v5 =	vld [tilespmem:s11+$0x6090];
	[tilespmem:s10+$0x160D0] =	vst v2;
	v0 =	vadd.f32 v4, v0  }
0x20d: {  	v2 =	vld [tilespmem:s11+$0xE090]  }
0x20e: {  	v52 =	vld [tilespmem:s11+$0x60A0];
	[tilespmem:s10+$0x160E0] =	vst v0  }
0x20f: {  	v54 =	vld [tilespmem:s11+$0xE0A0]  }
0x210: {  	v55 =	vld [tilespmem:s11+$0x60B0]  }
0x211: {  	v56 =	vld [tilespmem:s11+$0xE0B0]  }
0x212: {  	v57 =	vld [tilespmem:s11+$0x60C0]  }
0x213: {  	v58 =	vld [tilespmem:s11+$0xE0C0]  }
0x214: {  	v59 =	vld [tilespmem:s11+$0x60D0]  }
0x215: {  	v53 =	vadd.f32 v6, v1;
	v60 =	vld [tilespmem:s11+$0xE0D0]  }
0x216: {  	v61 =	vld [tilespmem:s11+$0x60E0];
	v3 =	vadd.f32 v51, v7  }
0x217: {  	v62 =	vld [tilespmem:s11+$0xE0E0];
	[tilespmem:s11+$0x160F0] =	vst v53;
	v2 =	vadd.f32 v2, v5  }
0x218: {  	[tilespmem:s11+$0x16080] =	vst v3;
	v1 =	vadd.f32 v54, v52  }
0x219: {  	[tilespmem:s11+$0x16090] =	vst v2;
	v0 =	vadd.f32 v56, v55  }
0x21a: {  	v3 =	vadd.f32 v58, v57;
	[tilespmem:s11+$0x160A0] =	vst v1  }
.Ltmp10:
0x21b: {  	v63 =	vadd.f32 v60, v59;
	[tilespmem:s11+$0x160B0] =	vst v0;
	(pc) =	sbr.rel @p1 .LBB2_20-.Ltmp10, $4  }
0x21c: {  	[tilespmem:s11+$0x160C0] =	vst v3;
	v1 =	vadd.f32 v62, v61  }
0x21d: {  	[tilespmem:s11+$0x160D0] =	vst v63  }
0x21e: {  	s4 =	sadd.s32 s9, s21;
	[tilespmem:s11+$0x160E0] =	vst v1  }
0x21f: {  	[hbm4b:s4+s24] =	stream.strided.scatter [tilespmem:s8], [sflag:$0x8], $0x2000, s25, s24, $0x38;
	[tilespmem:$0x18000] =	vst v63  }
.Ltmp11:
0x220: {  	s4 =	sadd.s32 s23, s22;
	(pc) =	sbr.rel .LBB2_2-.Ltmp11, $4  }
0x221: {  	s10 =	simm.s32 $0x6000;
	s9 =	sadd.s32 s1, s4  }
0x222: {  	[tilespmem:s10], [sflag:$0x4] =	stream.strided.gather [hbm4b:s9+s24], $0x2000, s25, s24, $0x38;
	[tilespmem:$0x18000] =	vst v63  }
0x223: {  	s14 =	sadd.s32 $0x1, s14;
	s4 =	sadd.s32 s2, s4  }
0x224: {  	[tilespmem:s3], [sflag:$0x4] =	stream.strided.gather [hbm4b:s4+s24], $0x2000, s25, s24, $0x38;
	[tilespmem:$0x18000] =	vst v63  }
.LBB2_21:
0x225: {  	_ =	sfence.sel $0x180000  }
0x226: {  	[bflag:$0x0] =	sbarrier.arrive $0xFFFF  }
0x227: {  	_ =	strace $0x90000047  }
0x228: {  	s0 =	stileid.u32;
	[bflag:$0x2] =	sbarrier.arrive $0xFFFF  }
0x229: {  	p0 =	sne.s32 s0, $0x0;
	s0 =	rddreg [dreg:$0x3]  }
0x22a: {  	s0 =	sadd.s32 @!p0 $0x100000, s0  }
0x22b: {  	[sflag:s0] =	ssyncadd.tile.s32 @!p0 $0x1;
	_ =	shalt  }
.Lfunc_end2:
_tile_overlayer_lowered:
.L_overlay_start_2:
0x22c: {  	(tag) =	ssettag $0x2  }
0x22d: {  	s0 =	rddreg [dreg:$0x0];
	s2 =	stileid.u32  }
0x22e: {  	s1 =	rddreg [dreg:$0x1];
	p0 =	sne.s32 s2, $0x0  }
0x22f: {  	s3 =	rddreg [dreg:$0x2];
	[bflag:$0x3] =	sbarrier.arrive $0xFFFF;
	s2 =	simm.s32 @!p0 $0x1C09  }
0x230: {  	[timem:s3], [sflag:s2] =	dma.local @!p0 [hbm:s0], s1  }
0x231: {  	s0 =	simm.s32 @!p0 $0x9  }
0x232: {  	_ =	swait.ge @!p0 [sflag:s0], s1  }
0x233: {  	s1 =	ssub.s32 @!p0 $0x0, s1;
	[sflag:s0] =	ssyncset.done @!p0 $0x0  }
0x234: {  	[sflag:s0] =	ssyncadd.s32 @!p0 s1  }
0x235: {  	[bflag:$0x3] =	sbarrier.arrive $0xFFFF  }
0x236: {  	_ =	shalt  }

</sc_bundles>
